<compile_context>
chip_gen: v7x
topology: tpu7x:2x2x1
jax: 0.10.2.dev20260603
libtpu: 0.0.44.dev20260713+nightly
codegen_flags: <defaults>
</compile_context>

<pallas_src>
import functools
import jax
import jax.numpy as jnp
import numpy as np
from jax import lax
from jax.experimental import pallas as pl
from jax.experimental.pallas import tpu as pltpu
from jax.experimental.pallas import tpu_sc as plsc



def _fps_body(px_ref, py_ref, pz_ref, pc_ref, *, n, m, cols):
    rows = n // cols
    ri = lax.broadcasted_iota(jnp.int32, (rows, cols), 0)
    ci = lax.broadcasted_iota(jnp.int32, (rows, cols), 1)
    flat = ri * cols + ci
    lane = lax.broadcasted_iota(jnp.int32, (1, 128), 1)

    px = px_ref[...]
    py = py_ref[...]
    pz = pz_ref[...]

    def write_row(i, qx, qy, qz):
        row = (jnp.where(lane == 0, qx, 0.0)
               + jnp.where(lane == 1, qy, 0.0)
               + jnp.where(lane == 2, qz, 0.0))
        pc_ref[pl.ds(i, 1), :] = row

    qx0 = px_ref[0, 0]
    qy0 = py_ref[0, 0]
    qz0 = pz_ref[0, 0]
    write_row(0, qx0, qy0, qz0)

    def body(i, state):
        mind, qx, qy, qz = state
        d = (px - qx) ** 2 + (py - qy) ** 2 + (pz - qz) ** 2
        mind = jnp.minimum(mind, d)
        mval = jnp.max(mind)
        idx = jnp.min(jnp.where(mind == mval, flat, jnp.int32(2 ** 30)))
        sel = flat == idx
        nqx = jnp.sum(jnp.where(sel, px, 0.0))
        nqy = jnp.sum(jnp.where(sel, py, 0.0))
        nqz = jnp.sum(jnp.where(sel, pz, 0.0))
        write_row(i, nqx, nqy, nqz)
        return (mind, nqx, nqy, nqz)

    mind0 = jnp.full((rows, cols), jnp.inf, dtype=jnp.float32)
    lax.fori_loop(1, m, body, (mind0, qx0, qy0, qz0))


def _fps_pallas(posx, posy, posz, m):
    rows, cols = posx.shape
    n = rows * cols
    body = functools.partial(_fps_body, n=n, m=m, cols=cols)
    pc = pl.pallas_call(
        body,
        out_shape=jax.ShapeDtypeStruct((m, 128), jnp.float32),
    )(posx, posy, posz)
    return pc



def _thresh_body(pc_ref, px_ref, py_ref, pz_ref, d2_ref, *, r2, kk, bm):
    cx = pc_ref[:, 0:1]
    cy = pc_ref[:, 1:2]
    cz = pc_ref[:, 2:3]
    d2 = (cx - px_ref[...]) ** 2 + (cy - py_ref[...]) ** 2 + (cz - pz_ref[...]) ** 2

    r2bits = jnp.int32(np.float32(r2).view(np.int32))
    cnt_r = jnp.sum(jnp.where(d2 <= r2, 1.0, 0.0), axis=1, keepdims=True)

    lo0 = jnp.zeros((bm, 1), jnp.int32)
    hi0 = jnp.full((bm, 1), r2bits, jnp.int32)

    def bit_body(_, state):
        lo, hi = state
        mid = lax.div(lo + hi, jnp.int32(2))
        tmid = pltpu.bitcast(mid, jnp.float32)
        cnt = jnp.sum(jnp.where(d2 <= tmid, 1.0, 0.0), axis=1, keepdims=True)
        ge = cnt >= float(kk)
        hi = jnp.where(ge, mid, hi)
        lo = jnp.where(ge, lo, mid + 1)
        return lo, hi

    lo, hi = lax.fori_loop(0, 31, bit_body, (lo0, hi0))
    t = pltpu.bitcast(hi, jnp.float32)
    t = jnp.where(cnt_r >= float(kk), t, jnp.float32(r2))
    d2_ref[...] = d2 - t


def _thresh_pallas(pc128, posx1, posy1, posz1, r2, kk=64, bm=256):
    m = pc128.shape[0]
    n = posx1.shape[1]
    body = functools.partial(_thresh_body, r2=r2, kk=kk, bm=bm)
    d2 = pl.pallas_call(
        body,
        grid=(m // bm,),
        in_specs=[
            pl.BlockSpec((bm, 128), lambda i: (i, 0)),
            pl.BlockSpec((1, n), lambda i: (0, 0)),
            pl.BlockSpec((1, n), lambda i: (0, 0)),
            pl.BlockSpec((1, n), lambda i: (0, 0)),
        ],
        out_specs=pl.BlockSpec((bm, n), lambda i: (i, 0)),
        out_shape=jax.ShapeDtypeStruct((m, n), jnp.float32),
    )(pc128, posx1, posy1, posz1)
    return d2



def _sc_group(d2, table, k=64):
    m, n = d2.shape
    wd = table.shape[1]
    nw = 32
    rpw = m // nw
    mesh = plsc.VectorSubcoreMesh(core_axis_name="c", subcore_axis_name="s")

    @functools.partial(
        pl.kernel,
        mesh=mesh,
        compiler_params=pltpu.CompilerParams(needs_layout_passes=False,
                                             use_tc_tiling_on_sc=False),
        out_type=[
            jax.ShapeDtypeStruct((m * k, wd), jnp.float32),
            jax.ShapeDtypeStruct((m,), jnp.int32),
        ],
        scratch_types=[
            pltpu.VMEM((n,), jnp.float32),
            pltpu.VMEM((k,), jnp.int32),
            pltpu.VMEM((k, wd), jnp.float32),
            pltpu.VMEM((rpw,), jnp.int32),
            pltpu.SemaphoreType.DMA,
        ],
    )
    def kfn(d2_hbm, table_hbm, g_hbm, cnt_hbm,
            d2row, idxrow, rows_v, cntbuf, sem):
        wid = lax.axis_index("s") * 2 + lax.axis_index("c")
        base = wid * rpw
        lanes = lax.broadcasted_iota(jnp.int32, (16,), 0)
        z16 = jnp.zeros((16,), jnp.int32)

        def row_body(rl, carry):
            row = base + rl
            pltpu.sync_copy(d2_hbm.at[row], d2row)
            for q in range(k // 16):
                idxrow[pl.ds(q * 16, 16)] = z16

            def chunk(j, off):
                v = d2row[pl.ds(j * 16, 16)]
                msk = v <= 0.0
                mi = jnp.where(msk, 1, 0).astype(jnp.int32)
                csum = plsc.cumsum(mi)
                positions = csum - 1 + off
                keep = jnp.logical_and(msk, positions < k)
                jvec = j * 16 + lanes
                plsc.store_scatter(idxrow, [positions], jvec, mask=keep)
                return off + jnp.max(csum)

            off = lax.fori_loop(0, n // 16, chunk, jnp.int32(0))
            offc = jnp.minimum(off, jnp.int32(k))
            plsc.store_scatter(cntbuf, [jnp.full((16,), rl, jnp.int32)],
                               jnp.full((16,), offc, jnp.int32),
                               mask=lanes == 0)
            pltpu.async_copy(table_hbm.at[idxrow], rows_v, sem).wait()
            pltpu.sync_copy(rows_v, g_hbm.at[pl.ds(row * k, k)])
            return carry

        lax.fori_loop(0, rpw, row_body, jnp.int32(0))
        pltpu.sync_copy(cntbuf, cnt_hbm.at[pl.ds(base, rpw)])

    return kfn(d2, table)



def _gmlp_body(g_ref, cnt_ref, pcw_ref, w1_ref, b1_ref, w2_ref, b2_ref,
               w3_ref, b3_ref, o_ref, *, bm, kk):
    wd = g_ref.shape[-1]
    g3 = g_ref[...].reshape(bm, kk, wd)
    pc3 = lax.broadcast_in_dim(pcw_ref[...], (bm, kk, wd), (0, 2))
    g2 = (g3 - pc3).reshape(bm * kk, wd)
    h1 = jnp.maximum(g2 @ w1_ref[...] + b1_ref[...], 0.0)
    h2 = jnp.maximum(h1 @ w2_ref[...] + b2_ref[...], 0.0)
    h3 = h2 @ w3_ref[...] + b3_ref[...]
    h3d = h3.shape[-1]
    h3 = h3.reshape(bm, kk, h3d)
    slot3 = lax.broadcasted_iota(jnp.int32, (bm, kk, h3d), 1)
    cnt3 = lax.broadcast_in_dim(cnt_ref[:, 0:1], (bm, kk, h3d), (0, 1))
    h3 = jnp.where(slot3 < cnt3, h3, -jnp.inf)
    o_ref[...] = jnp.max(h3, axis=1)


def _gmlp_pallas(G, cnt, pcw, w1p, b1, w2, b2, w3, b3, kk=64, bm=128):
    m = cnt.shape[0]
    wd = G.shape[1]
    h1d = w1p.shape[1]
    h2d = w2.shape[1]
    h3d = w3.shape[1]
    body = functools.partial(_gmlp_body, bm=bm, kk=kk)
    out = pl.pallas_call(
        body,
        grid=(m // bm,),
        in_specs=[
            pl.BlockSpec((bm * kk, wd), lambda i: (i, 0)),
            pl.BlockSpec((bm, 128), lambda i: (i, 0)),
            pl.BlockSpec((bm, wd), lambda i: (i, 0)),
            pl.BlockSpec((wd, h1d), lambda i: (0, 0)),
            pl.BlockSpec((h1d,), lambda i: (0,)),
            pl.BlockSpec((h1d, h2d), lambda i: (0, 0)),
            pl.BlockSpec((h2d,), lambda i: (0,)),
            pl.BlockSpec((h2d, h3d), lambda i: (0, 0)),
            pl.BlockSpec((h3d,), lambda i: (0,)),
        ],
        out_specs=pl.BlockSpec((bm, h3d), lambda i: (i, 0)),
        out_shape=jax.ShapeDtypeStruct((m, h3d), jnp.float32),
    )(G, cnt, pcw, w1p, b1, w2, b2, w3, b3)
    return out


def _sa_module(x, posx, posy, posz, m, r, ps, gmlp_bm):
    n = posx.shape[1]
    f = x.shape[1]
    wd = ((f + 3 + 15) // 16) * 16
    rows = 8
    pc128 = _fps_pallas(posx.reshape(rows, n // rows),
                        posy.reshape(rows, n // rows),
                        posz.reshape(rows, n // rows), m)
    d2 = _thresh_pallas(pc128, posx, posy, posz, r * r)
    pos3 = jnp.concatenate([posx, posy, posz], axis=0).T
    table = jnp.zeros((n, wd), jnp.float32)
    table = table.at[:, :f].set(x).at[:, f:f + 3].set(pos3)
    G, cnt = _sc_group(d2, table)
    cnt = jnp.broadcast_to(cnt[:, None], (m, 128))

    (W1, b1), (W2, b2), (W3, b3) = ps
    w1p = jnp.zeros((wd, W1.shape[1]), jnp.float32).at[:f + 3].set(W1)
    pcw = jnp.zeros((m, wd), jnp.float32).at[:, f:f + 3].set(pc128[:, :3])
    out = _gmlp_pallas(G, cnt, pcw, w1p, b1, W2, b2, W3, b3, bm=gmlp_bm)
    return out, pc128



def _sa3fp3_body(cat_ref, x2_ref, w1_ref, b1_ref, w2_ref, b2_ref, w3_ref,
                 b3_ref, v1a_ref, v1b_ref, c1_ref, v2_ref, c2_ref, o_ref):
    h = jnp.maximum(cat_ref[...] @ w1_ref[...] + b1_ref[...], 0.0)
    h = jnp.maximum(h @ w2_ref[...] + b2_ref[...], 0.0)
    h = h @ w3_ref[...] + b3_ref[...]
    x3 = jnp.max(h, axis=0, keepdims=True)
    za = x3 @ v1a_ref[...]
    z = jnp.maximum(x2_ref[...] @ v1b_ref[...] + za + c1_ref[...], 0.0)
    o_ref[...] = z @ v2_ref[...] + c2_ref[...]


def _sa3fp3_pallas(cat, x2, sa3_ps, fp3_ps):
    m = cat.shape[0]
    kd = cat.shape[1]
    (w1, b1), (w2, b2), (w3, b3) = sa3_ps
    (v1, c1), (v2, c2) = fp3_ps
    v1a, v1b = v1[:1024], v1[1024:]
    specs = [
        pl.BlockSpec(a.shape, lambda i, r=len(a.shape): (0,) * r)
        for a in (cat, x2, w1, b1, w2, b2, w3, b3, v1a, v1b, c1, v2, c2)
    ]
    out = pl.pallas_call(
        _sa3fp3_body,
        grid=(1,),
        in_specs=specs,
        out_specs=pl.BlockSpec((m, 256), lambda i: (0, 0)),
        out_shape=jax.ShapeDtypeStruct((m, 256), jnp.float32),
    )(cat, x2, w1, b1, w2, b2, w3, b3, v1a, v1b, c1, v2, c2)
    return out



def _interp_sel(pt_ref, sx_ref, sy_ref, sz_ref, bt, ns):
    tx = pt_ref[:, 0:1]
    ty = pt_ref[:, 1:2]
    tz = pt_ref[:, 2:3]
    d2 = (tx - sx_ref[...]) ** 2 + (ty - sy_ref[...]) ** 2 + (tz - sz_ref[...]) ** 2
    ii = lax.broadcasted_iota(jnp.int32, (bt, ns), 1)
    wacc = jnp.zeros((bt, ns), jnp.float32)
    norm = jnp.zeros((bt, 1), jnp.float32)
    dd = d2
    for _ in range(3):
        mv = jnp.min(dd, axis=1, keepdims=True)
        midx = jnp.min(jnp.where(dd == mv, ii, jnp.int32(2 ** 30)), axis=1,
                       keepdims=True)
        hit = ii == midx
        wk = 1.0 / jnp.maximum(mv, 1e-16)
        wacc = wacc + jnp.where(hit, wk, 0.0)
        norm = norm + wk
        dd = jnp.where(hit, jnp.inf, dd)
    return wacc, norm


def _fp2_body(pt_ref, sx_ref, sy_ref, sz_ref, ysrc_ref, x1_ref,
              w1a_ref, w1b_ref, b1_ref, w2_ref, b2_ref, o_ref, *, bt, ns):
    wacc, norm = _interp_sel(pt_ref, sx_ref, sy_ref, sz_ref, bt, ns)
    y = jnp.dot(wacc, ysrc_ref[...], precision=jax.lax.Precision.HIGHEST)
    y = y / norm
    h = jnp.maximum(y @ w1a_ref[...] + x1_ref[...] @ w1b_ref[...] + b1_ref[...], 0.0)
    o_ref[...] = h @ w2_ref[...] + b2_ref[...]


def _fp2_pallas(pc_tgt, sx, sy, sz, ysrc, x1, ps, bt=1024):
    nt = pc_tgt.shape[0]
    ns = sx.shape[1]
    fs = ysrc.shape[1]
    (w1, b1), (w2, b2) = ps
    w1a, w1b = w1[:fs], w1[fs:]
    fskip = w1b.shape[0]
    h2 = w2.shape[1]
    body = functools.partial(_fp2_body, bt=bt, ns=ns)
    out = pl.pallas_call(
        body,
        grid=(nt // bt,),
        in_specs=[
            pl.BlockSpec((bt, 128), lambda i: (i, 0)),
            pl.BlockSpec((1, ns), lambda i: (0, 0)),
            pl.BlockSpec((1, ns), lambda i: (0, 0)),
            pl.BlockSpec((1, ns), lambda i: (0, 0)),
            pl.BlockSpec((ns, fs), lambda i: (0, 0)),
            pl.BlockSpec((bt, fskip), lambda i: (i, 0)),
            pl.BlockSpec(w1a.shape, lambda i: (0, 0)),
            pl.BlockSpec(w1b.shape, lambda i: (0, 0)),
            pl.BlockSpec(b1.shape, lambda i: (0,)),
            pl.BlockSpec(w2.shape, lambda i: (0, 0)),
            pl.BlockSpec(b2.shape, lambda i: (0,)),
        ],
        out_specs=pl.BlockSpec((bt, h2), lambda i: (i, 0)),
        out_shape=jax.ShapeDtypeStruct((nt, h2), jnp.float32),
    )(pc_tgt, sx, sy, sz, ysrc, x1, w1a, w1b, b1, w2, b2)
    return out


def _fp1h_body(pt_ref, sx_ref, sy_ref, sz_ref, ysrc_ref, xs_ref,
               w1a_ref, w1b_ref, b1_ref, w2_ref, b2_ref, w3_ref, b3_ref,
               u1_ref, d1_ref, u2_ref, d2r_ref, u3_ref, d3_ref, o_ref,
               *, bt, ns):
    wacc, norm = _interp_sel(pt_ref, sx_ref, sy_ref, sz_ref, bt, ns)
    y = jnp.dot(wacc, ysrc_ref[...], precision=jax.lax.Precision.HIGHEST)
    y = y / norm
    h = jnp.maximum(y @ w1a_ref[...] + xs_ref[...] @ w1b_ref[...] + b1_ref[...], 0.0)
    h = jnp.maximum(h @ w2_ref[...] + b2_ref[...], 0.0)
    h = h @ w3_ref[...] + b3_ref[...]
    h = jnp.maximum(h @ u1_ref[...] + d1_ref[...], 0.0)
    h = jnp.maximum(h @ u2_ref[...] + d2r_ref[...], 0.0)
    o_ref[...] = h @ u3_ref[...] + d3_ref[...]


def _fp1_head_pallas(pos_tgt, sx, sy, sz, ysrc, xskip, fp1_ps, head_ps,
                     bt=1024):
    nt = pos_tgt.shape[0]
    ptw = pos_tgt.shape[1]
    ns = sx.shape[1]
    fs = ysrc.shape[1]
    (w1, b1), (w2, b2), (w3, b3) = fp1_ps
    (u1, d1), (u2, d2), (u3, d3) = head_ps
    w1a, w1b = w1[:fs], w1[fs:]
    u3p = jnp.pad(u3, ((0, 0), (0, 8 - u3.shape[1])))
    d3p = jnp.pad(d3, ((0, 8 - d3.shape[0]),))
    fskip = w1b.shape[0]
    body = functools.partial(_fp1h_body, bt=bt, ns=ns)
    args = (pos_tgt, sx, sy, sz, ysrc, xskip, w1a, w1b, b1, w2, b2, w3, b3,
            u1, d1, u2, d2, u3p, d3p)
    in_specs = [
        pl.BlockSpec((bt, ptw), lambda i: (i, 0)),
        pl.BlockSpec((1, ns), lambda i: (0, 0)),
        pl.BlockSpec((1, ns), lambda i: (0, 0)),
        pl.BlockSpec((1, ns), lambda i: (0, 0)),
        pl.BlockSpec((ns, fs), lambda i: (0, 0)),
        pl.BlockSpec((bt, fskip), lambda i: (i, 0)),
    ] + [pl.BlockSpec(a.shape, lambda i, r=len(a.shape): (0,) * r)
         for a in args[6:]]
    out = pl.pallas_call(
        body,
        grid=(nt // bt,),
        in_specs=in_specs,
        out_specs=pl.BlockSpec((bt, 8), lambda i: (i, 0)),
        out_shape=jax.ShapeDtypeStruct((nt, 8), jnp.float32),
    )(*args)
    return out[:, :3]


def kernel(x, pos, batch, params):
    n = pos.shape[0]
    posx = pos[:, 0].reshape(1, n)
    posy = pos[:, 1].reshape(1, n)
    posz = pos[:, 2].reshape(1, n)

    x1, pc1 = _sa_module(x, posx, posy, posz, n // 2, 0.2, params['sa1'],
                         gmlp_bm=128)
    p1x = pc1[:, 0].reshape(1, n // 2)
    p1y = pc1[:, 1].reshape(1, n // 2)
    p1z = pc1[:, 2].reshape(1, n // 2)
    x2, pc2 = _sa_module(x1, p1x, p1y, p1z, n // 8, 0.4, params['sa2'],
                         gmlp_bm=64)
    pos2 = pc2[:, :3]

    cat = jnp.concatenate([x2, pos2], axis=-1)
    y3 = _sa3fp3_pallas(cat, x2, params['sa3'], params['fp3'])

    p2x = pc2[:, 0].reshape(1, n // 8)
    p2y = pc2[:, 1].reshape(1, n // 8)
    p2z = pc2[:, 2].reshape(1, n // 8)
    y2 = _fp2_pallas(pc1, p2x, p2y, p2z, y3, x1, params['fp2'])

    return _fp1_head_pallas(pos, p1x, p1y, p1z, y2, x, params['fp1'],
                            params['head'])

# --- scband reference (transcript-rebuilt; emitter-appended) ---
"""Pipeline reference for scband-point-net2-flow-38259568672947 (READ-ONLY COPY).

The authoritative reference and input builder live on the scoring server;
editing this copy changes nothing except your own understanding.
"""

import jax, jax.numpy as jnp
import numpy as np

IN_DIM = 6
N_POINTS = 8192


def make_mlp_params(key, dims):
    ps = []
    for i in range(len(dims) - 1):
        key, k1 = jax.random.split(key)
        W = jax.random.normal(k1, (dims[i], dims[i + 1]), dtype=jnp.float32) * (1.0 / np.sqrt(dims[i]))
        b = jnp.zeros((dims[i + 1],), dtype=jnp.float32)
        ps.append((W, b))
    return key, ps


def setup_inputs(seed: int = 0) -> dict:
    key = jax.random.key(seed)
    key, kx, kp = jax.random.split(key, 3)
    x = jax.random.normal(kx, (N_POINTS, IN_DIM - 3), dtype=jnp.float32)
    pos = jax.random.uniform(kp, (N_POINTS, 3), dtype=jnp.float32)
    batch = jnp.zeros((N_POINTS,), dtype=jnp.int32)
    params = {}
    key, params['sa1'] = make_mlp_params(key, [IN_DIM, 64, 64, 128])
    key, params['sa2'] = make_mlp_params(key, [128 + 3, 128, 128, 256])
    key, params['sa3'] = make_mlp_params(key, [256 + 3, 256, 512, 1024])
    key, params['fp3'] = make_mlp_params(key, [1024 + 256, 256, 256])
    key, params['fp2'] = make_mlp_params(key, [256 + 128, 256, 128])
    key, params['fp1'] = make_mlp_params(key, [128 + (IN_DIM - 3), 128, 128, 128])
    key, params['head'] = make_mlp_params(key, [128, 128, 128, 3])
    return {'x': x, 'pos': pos, 'batch': batch, 'params': params}


def mlp_apply(ps, h):
    # torch_geometric MLP with plain_last=True; BatchNorm in eval mode with
    # default running stats (mean 0, var 1) is identity, so Linear+ReLU.
    n = len(ps)
    for i, (W, b) in enumerate(ps):
        h = h @ W + b
        if i < n - 1:
            h = jax.nn.relu(h)
    return h


def fps(pos, npoints):
    # farthest point sampling, deterministic start at index 0
    N = pos.shape[0]

    def body(i, state):
        sel, mind, last = state
        d = jnp.sum((pos - pos[last]) ** 2, axis=-1)
        mind = jnp.minimum(mind, d)
        nxt = jnp.argmax(mind).astype(jnp.int32)
        sel = sel.at[i].set(nxt)
        return (sel, mind, nxt)

    sel0 = jnp.zeros((npoints,), dtype=jnp.int32)
    init = (sel0, jnp.full((N,), jnp.inf, dtype=pos.dtype), jnp.int32(0))
    sel, _, _ = jax.lax.fori_loop(1, npoints, body, init)
    return sel


def sa_module(x, pos, ratio, r, ps, K=64):
    # SAModule: fps -> radius ball query (max 64 neighbors) -> PointNetConv (max aggr)
    N = pos.shape[0]
    M = int(N * ratio)
    idx_c = fps(jax.lax.stop_gradient(pos), M)
    pos_c = pos[idx_c]
    pc_ng = jax.lax.stop_gradient(pos_c)
    p_ng = jax.lax.stop_gradient(pos)
    d2 = jnp.sum((pc_ng[:, None, :] - p_ng[None, :, :]) ** 2, axis=-1)
    score = jnp.where(d2 <= r * r, -d2, -jnp.inf)
    svals, nidx = jax.lax.top_k(score, K)
    valid = svals > -jnp.inf
    xj = x[nidx]
    pj = pos[nidx] - pos_c[:, None, :]
    h = mlp_apply(ps, jnp.concatenate([xj, pj], axis=-1))
    h = jnp.where(valid[:, :, None], h, -jnp.inf)
    return jnp.max(h, axis=1), pos_c


def global_sa(x, pos, ps):
    h = mlp_apply(ps, jnp.concatenate([x, pos], axis=-1))
    return jnp.max(h, axis=0, keepdims=True), jnp.zeros((1, 3), dtype=pos.dtype)


def knn_interpolate(x, pos_src, pos_tgt, k):
    # torch_geometric.nn.unpool.knn_interpolate with inverse squared-distance weights
    d2_ng = jnp.sum((jax.lax.stop_gradient(pos_tgt)[:, None, :] - jax.lax.stop_gradient(pos_src)[None, :, :]) ** 2, axis=-1)
    _, idx = jax.lax.top_k(-d2_ng, k)
    d2k = jnp.sum((pos_tgt[:, None, :] - pos_src[idx]) ** 2, axis=-1)
    w = 1.0 / jnp.maximum(d2k, 1e-16)
    y = jnp.sum(w[:, :, None] * x[idx], axis=1) / jnp.sum(w, axis=1, keepdims=True)
    return y


def _forward(x, pos, params):
    x1, pos1 = sa_module(x, pos, 0.5, 0.2, params['sa1'])
    x2, pos2 = sa_module(x1, pos1, 0.25, 0.4, params['sa2'])
    x3, pos3 = global_sa(x2, pos2, params['sa3'])
    # fp3_module (k=1)
    y = knn_interpolate(x3, pos3, pos2, 1)
    y = mlp_apply(params['fp3'], jnp.concatenate([y, x2], axis=-1))
    # fp2_module (k=3)
    y = knn_interpolate(y, pos2, pos1, 3)
    y = mlp_apply(params['fp2'], jnp.concatenate([y, x1], axis=-1))
    # fp1_module (k=3), skip is original data.x only
    y = knn_interpolate(y, pos1, pos, 3)
    y = mlp_apply(params['fp1'], jnp.concatenate([y, x], axis=-1))
    # final MLP (dropout=0.5 is identity in eval, batch_norm=False)
    return mlp_apply(params['head'], y)


def reference(x, pos, batch, params):
    # encoder_type='pointnet': returns per-point flow [N, 3]
    return _forward(x, pos, params)

if __name__ == "__main__":
    import jax
    _d = setup_inputs()
    print(jax.jit(kernel)(*tuple(_d.values())))

</pallas_src>

<mosaic_0001>
#map = affine_map<(d0, d1) -> (0, 0)>
#map1 = affine_map<(d0, d1) -> (0)>
module attributes {stable_mosaic.version = 14 : i64} {
  func.func @kfn(%arg0: i32, %arg1: i32, %arg2: memref<4096x8192xf32, #tpu.memory_space<hbm>>, %arg3: memref<8192x16xf32, #tpu.memory_space<hbm>>, %arg4: memref<262144x16xf32, #tpu.memory_space<hbm>>, %arg5: memref<4096xi32, #tpu.memory_space<hbm>>, %arg6: memref<8192xf32, #tpu.memory_space<vmem>>, %arg7: memref<64xi32, #tpu.memory_space<vmem>>, %arg8: memref<64x16xf32, #tpu.memory_space<vmem>>, %arg9: memref<128xi32, #tpu.memory_space<vmem>>, %arg10: memref<!tpu.dma_semaphore, #tpu.memory_space<semaphore_mem>>) attributes {dimension_semantics = [#tpu.dimension_semantics<core_parallel>, #tpu.dimension_semantics<subcore_parallel>], iteration_bounds = array<i64: 2, 16>, scalar_prefetch = 0 : i64, scratch_operands = 5 : i64, tpu.core_type = #tpu.core_type<sc_vector_subcore>, window_params = [{transform_indices = #map}, {transform_indices = #map}, {transform_indices = #map}, {transform_indices = #map1}]} {
    %mul3A = arith.constant 2 : i32
    %mul3A_0 = arith.muli %arg1, %mul3A : i32
    %add3A = arith.addi %mul3A_0, %arg0 : i32
    %mul3A_1 = arith.constant 128 : i32
    %mul3A_2 = arith.muli %add3A, %mul3A_1 : i32
    %iota3A = tpu.iota {dimensions = array<i32: 0>} : vector<16xi32>
    %broadcast_in_dim3A = arith.constant 0 : i32
    %broadcast_in_dim3A_3 = vector.broadcast %broadcast_in_dim3A : i32 to vector<16xi32>
    %scan3A = arith.constant 0 : i32
    %scan3A_4 = arith.constant 0 : i32
    %scan3A_5 = arith.constant 128 : i32
    %scan3A_6 = arith.addi %scan3A_4, %scan3A_5 : i32
    %scan3A_7 = arith.constant 1 : i32
    scf.for %scan3A_9 = %scan3A_4 to %scan3A_6 step %scan3A_7  : i32 {
      %add3A_10 = arith.addi %mul3A_2, %scan3A_9 : i32
      "tpu.region"() ({
        %run_scoped3A = tpu.sem_alloc : memref<!tpu.dma_semaphore, #tpu.memory_space<semaphore_mem>>
        %dma_start3A_36 = arith.constant 0 : i32
        %dma_start3A_37 = tpu.memref_slice %arg2[%add3A_10, %dma_start3A_36] : memref<4096x8192xf32, #tpu.memory_space<hbm>> -> memref<1x8192xf32, #tpu.memory_space<hbm>>
        %dma_start3A_38 = tpu.memref_squeeze %dma_start3A_37 : memref<1x8192xf32, #tpu.memory_space<hbm>> -> memref<8192xf32, #tpu.memory_space<hbm>>
        %dma_start3A_39 = arith.constant 0 : i32
        %dma_start3A_40 = tpu.memref_slice %arg2[%add3A_10, %dma_start3A_39] : memref<4096x8192xf32, #tpu.memory_space<hbm>> -> memref<1x8192xf32, #tpu.memory_space<hbm>>
        %dma_start3A_41 = tpu.memref_squeeze %dma_start3A_40 : memref<1x8192xf32, #tpu.memory_space<hbm>> -> memref<8192xf32, #tpu.memory_space<hbm>>
        tpu.enqueue_dma source(%dma_start3A_41 : memref<8192xf32, #tpu.memory_space<hbm>>) target(%arg6 : memref<8192xf32, #tpu.memory_space<vmem>>) target_semaphore(%run_scoped3A : memref<!tpu.dma_semaphore, #tpu.memory_space<semaphore_mem>>)
        %dma_wait3A_42 = arith.constant 0 : i32
        %dma_wait3A_43 = tpu.memref_slice %arg2[%add3A_10, %dma_wait3A_42] : memref<4096x8192xf32, #tpu.memory_space<hbm>> -> memref<1x8192xf32, #tpu.memory_space<hbm>>
        %dma_wait3A_44 = tpu.memref_squeeze %dma_wait3A_43 : memref<1x8192xf32, #tpu.memory_space<hbm>> -> memref<8192xf32, #tpu.memory_space<hbm>>
        %dma_wait3A_45 = arith.constant 0 : i32
        %dma_wait3A_46 = tpu.memref_slice %arg2[%add3A_10, %dma_wait3A_45] : memref<4096x8192xf32, #tpu.memory_space<hbm>> -> memref<1x8192xf32, #tpu.memory_space<hbm>>
        %dma_wait3A_47 = tpu.memref_squeeze %dma_wait3A_46 : memref<1x8192xf32, #tpu.memory_space<hbm>> -> memref<8192xf32, #tpu.memory_space<hbm>>
        tpu.wait_dma2 semaphore(%run_scoped3A : memref<!tpu.dma_semaphore, #tpu.memory_space<semaphore_mem>>) src(%dma_wait3A_47 : memref<8192xf32, #tpu.memory_space<hbm>>) dst(%arg6 : memref<8192xf32, #tpu.memory_space<vmem>>)
        tpu.yield
      }) : () -> ()
      %swap3A = arith.constant 0 : index
      %swap3A_11 = tpu.vector_load %arg7[%swap3A] {strides = array<i32>} : memref<64xi32, #tpu.memory_space<vmem>>, vector<16xi32>,
      tpu.vector_store %arg7[%swap3A], %broadcast_in_dim3A_3 {strides = array<i32>} : memref<64xi32, #tpu.memory_space<vmem>>, vector<16xi32>,
      %swap3A_12 = arith.constant 16 : index
      %swap3A_13 = tpu.vector_load %arg7[%swap3A_12] {strides = array<i32>} : memref<64xi32, #tpu.memory_space<vmem>>, vector<16xi32>,
      tpu.vector_store %arg7[%swap3A_12], %broadcast_in_dim3A_3 {strides = array<i32>} : memref<64xi32, #tpu.memory_space<vmem>>, vector<16xi32>,
      %swap3A_14 = arith.constant 32 : index
      %swap3A_15 = tpu.vector_load %arg7[%swap3A_14] {strides = array<i32>} : memref<64xi32, #tpu.memory_space<vmem>>, vector<16xi32>,
      tpu.vector_store %arg7[%swap3A_14], %broadcast_in_dim3A_3 {strides = array<i32>} : memref<64xi32, #tpu.memory_space<vmem>>, vector<16xi32>,
      %swap3A_16 = arith.constant 48 : index
      %swap3A_17 = tpu.vector_load %arg7[%swap3A_16] {strides = array<i32>} : memref<64xi32, #tpu.memory_space<vmem>>, vector<16xi32>,
      tpu.vector_store %arg7[%swap3A_16], %broadcast_in_dim3A_3 {strides = array<i32>} : memref<64xi32, #tpu.memory_space<vmem>>, vector<16xi32>,
      %scan3A_18 = arith.constant 0 : i32
      %scan3A_19 = arith.constant 0 : i32
      %scan3A_20 = arith.constant 512 : i32
      %scan3A_21 = arith.addi %scan3A_19, %scan3A_20 : i32
      %scan3A_22 = arith.constant 1 : i32
      %scan3A_23 = scf.for %scan3A_36 = %scan3A_19 to %scan3A_21 step %scan3A_22 iter_args(%scan3A_37 = %scan3A_18) -> (i32)  : i32 {
        %mul3A_38 = arith.constant 16 : i32
        %mul3A_39 = arith.muli %scan3A_36, %mul3A_38 : i32
        %get3A = arith.index_cast %mul3A_39 : i32 to index
        %get3A_40 = tpu.vector_load %arg6[%get3A] {strides = array<i32>} : memref<8192xf32, #tpu.memory_space<vmem>>, vector<16xf32>,
        %le3A = arith.constant 0.000000e+00 : f32
        %le3A_41 = vector.broadcast %le3A : f32 to vector<16xf32>
        %le3A_42 = arith.cmpf ole, %get3A_40, %le3A_41 : vector<16xf32>
        %jit3A = arith.constant 1 : i32
        %jit3A_43 = arith.constant 0 : i32
        %broadcast_in_dim3A_44 = vector.broadcast %jit3A : i32 to vector<16xi32>
        %broadcast_in_dim3A_45 = vector.broadcast %jit3A_43 : i32 to vector<16xi32>
        %select_n3A = arith.select %le3A_42, %broadcast_in_dim3A_44, %broadcast_in_dim3A_45 : vector<16xi1>, vector<16xi32>
        %broadcast_in_dim3A_46 = arith.constant true
        %broadcast_in_dim3A_47 = vector.broadcast %broadcast_in_dim3A_46 : i1 to vector<16xi1>
        %masked_cumsum3A = tpu.scan <sum>, %select_n3A masked %broadcast_in_dim3A_47 : vector<16xi32>, vector<16xi1> -> vector<16xi32>
        %sub3A = arith.constant 1 : i32
        %sub3A_48 = vector.broadcast %sub3A : i32 to vector<16xi32>
        %sub3A_49 = arith.subi %masked_cumsum3A, %sub3A_48 : vector<16xi32>
        %add3A_50 = vector.broadcast %scan3A_37 : i32 to vector<16xi32>
        %add3A_51 = arith.addi %sub3A_49, %add3A_50 : vector<16xi32>
        %lt3A = arith.constant 64 : i32
        %lt3A_52 = vector.broadcast %lt3A : i32 to vector<16xi32>
        %lt3A_53 = arith.cmpi slt, %add3A_51, %lt3A_52 : vector<16xi32>
        %and3A = arith.andi %le3A_42, %lt3A_53 : vector<16xi1>
        %mul3A_54 = arith.constant 16 : i32
        %mul3A_55 = arith.muli %scan3A_36, %mul3A_54 : i32
        %add3A_56 = vector.broadcast %mul3A_55 : i32 to vector<16xi32>
        %add3A_57 = arith.addi %add3A_56, %iota3A : vector<16xi32>
        tpu.vector_store_idx %arg7[%add3A_51], %add3A_57 masked %and3A : memref<64xi32, #tpu.memory_space<vmem>>[vector<16xi32>], vector<16xi32>, vector<16xi1>
        %reduce_max3A = arith.constant true
        %reduce_max3A_58 = vector.broadcast %reduce_max3A : i1 to vector<16xi1>
        %reduce_max3A_59 = arith.constant -2147483648 : i32
        %reduce_max3A_60 = vector.broadcast %reduce_max3A_59 : i32 to vector<16xi32>
        %reduce_max3A_61 = arith.xori %masked_cumsum3A, %reduce_max3A_60 : vector<16xi32>
        %reduce_max3A_62 = tpu.scan <max>, %reduce_max3A_61 masked %reduce_max3A_58 : vector<16xi32>, vector<16xi1> -> vector<16xi32>
        %reduce_max3A_63 = arith.xori %reduce_max3A_62, %reduce_max3A_60 : vector<16xi32>
        %reduce_max3A_64 = vector.extract %reduce_max3A_63[15] : i32 from vector<16xi32>
        %add3A_65 = arith.addi %scan3A_37, %reduce_max3A_64 : i32
        scf.yield %add3A_65 : i32
      }
      %scan3A_24 = arith.constant 512 : i32
      %min3A = arith.constant 64 : i32
      %min3A_25 = arith.minsi %scan3A_23, %min3A : i32
      %broadcast_in_dim3A_26 = vector.broadcast %scan3A_9 : i32 to vector<16xi32>
      %broadcast_in_dim3A_27 = vector.broadcast %min3A_25 : i32 to vector<16xi32>
      %eq3A = arith.constant 0 : i32
      %eq3A_28 = vector.broadcast %eq3A : i32 to vector<16xi32>
      %eq3A_29 = arith.cmpi eq, %iota3A, %eq3A_28 : vector<16xi32>
      tpu.vector_store_idx %arg9[%broadcast_in_dim3A_26], %broadcast_in_dim3A_27 masked %eq3A_29 : memref<128xi32, #tpu.memory_space<vmem>>[vector<16xi32>], vector<16xi32>, vector<16xi1>
      %dma_start3A = arith.constant 0 : i32
      %dma_start3A_30 = arith.constant 0 : i32
      %dma_start3A_31 = tpu.memref_slice %arg3[%dma_start3A, %dma_start3A_30] : memref<8192x16xf32, #tpu.memory_space<hbm>> -> memref<8192x16xf32, #tpu.memory_space<hbm>>
      tpu.enqueue_indirect_dma source(%dma_start3A_31 : memref<8192x16xf32, #tpu.memory_space<hbm>>) target(%arg8 : memref<64x16xf32, #tpu.memory_space<vmem>>) offsets(%arg7 : memref<64xi32, #tpu.memory_space<vmem>>) semaphore(%arg10 : memref<!tpu.dma_semaphore, #tpu.memory_space<semaphore_mem>>)
      %dma_wait3A = arith.constant 0 : i32
      %dma_wait3A_32 = arith.constant 0 : i32
      %dma_wait3A_33 = tpu.memref_slice %arg3[%dma_wait3A, %dma_wait3A_32] : memref<8192x16xf32, #tpu.memory_space<hbm>> -> memref<8192x16xf32, #tpu.memory_space<hbm>>
      tpu.wait_indirect_dma semaphore(%arg10 : memref<!tpu.dma_semaphore, #tpu.memory_space<semaphore_mem>>) src(%dma_wait3A_33 : memref<8192x16xf32, #tpu.memory_space<hbm>>) dst(%arg8 : memref<64x16xf32, #tpu.memory_space<vmem>>)
      %mul3A_34 = arith.constant 64 : i32
      %mul3A_35 = arith.muli %add3A_10, %mul3A_34 : i32
      "tpu.region"() ({
        %run_scoped3A = tpu.sem_alloc : memref<!tpu.dma_semaphore, #tpu.memory_space<semaphore_mem>>
        %dma_start3A_36 = arith.constant 0 : i32
        %dma_start3A_37 = tpu.memref_slice %arg4[%mul3A_35, %dma_start3A_36] : memref<262144x16xf32, #tpu.memory_space<hbm>> -> memref<64x16xf32, #tpu.memory_space<hbm>>
        %dma_start3A_38 = arith.constant 0 : i32
        %dma_start3A_39 = tpu.memref_slice %arg4[%mul3A_35, %dma_start3A_38] : memref<262144x16xf32, #tpu.memory_space<hbm>> -> memref<64x16xf32, #tpu.memory_space<hbm>>
        tpu.enqueue_dma source(%arg8 : memref<64x16xf32, #tpu.memory_space<vmem>>) target(%dma_start3A_39 : memref<64x16xf32, #tpu.memory_space<hbm>>) target_semaphore(%run_scoped3A : memref<!tpu.dma_semaphore, #tpu.memory_space<semaphore_mem>>)
        %dma_wait3A_40 = arith.constant 0 : i32
        %dma_wait3A_41 = tpu.memref_slice %arg4[%mul3A_35, %dma_wait3A_40] : memref<262144x16xf32, #tpu.memory_space<hbm>> -> memref<64x16xf32, #tpu.memory_space<hbm>>
        %dma_wait3A_42 = arith.constant 0 : i32
        %dma_wait3A_43 = tpu.memref_slice %arg4[%mul3A_35, %dma_wait3A_42] : memref<262144x16xf32, #tpu.memory_space<hbm>> -> memref<64x16xf32, #tpu.memory_space<hbm>>
        tpu.wait_dma2 semaphore(%run_scoped3A : memref<!tpu.dma_semaphore, #tpu.memory_space<semaphore_mem>>) src(%arg8 : memref<64x16xf32, #tpu.memory_space<vmem>>) dst(%dma_wait3A_43 : memref<64x16xf32, #tpu.memory_space<hbm>>)
        tpu.yield
      }) : () -> ()
    }
    %scan3A_8 = arith.constant 128 : i32
    "tpu.region"() ({
      %run_scoped3A = tpu.sem_alloc : memref<!tpu.dma_semaphore, #tpu.memory_space<semaphore_mem>>
      %dma_start3A = tpu.memref_slice %arg5[%mul3A_2] : memref<4096xi32, #tpu.memory_space<hbm>> -> memref<128xi32, #tpu.memory_space<hbm>>
      %dma_start3A_9 = tpu.memref_slice %arg5[%mul3A_2] : memref<4096xi32, #tpu.memory_space<hbm>> -> memref<128xi32, #tpu.memory_space<hbm>>
      tpu.enqueue_dma source(%arg9 : memref<128xi32, #tpu.memory_space<vmem>>) target(%dma_start3A_9 : memref<128xi32, #tpu.memory_space<hbm>>) target_semaphore(%run_scoped3A : memref<!tpu.dma_semaphore, #tpu.memory_space<semaphore_mem>>)
      %dma_wait3A = tpu.memref_slice %arg5[%mul3A_2] : memref<4096xi32, #tpu.memory_space<hbm>> -> memref<128xi32, #tpu.memory_space<hbm>>
      %dma_wait3A_10 = tpu.memref_slice %arg5[%mul3A_2] : memref<4096xi32, #tpu.memory_space<hbm>> -> memref<128xi32, #tpu.memory_space<hbm>>
      tpu.wait_dma2 semaphore(%run_scoped3A : memref<!tpu.dma_semaphore, #tpu.memory_space<semaphore_mem>>) src(%arg9 : memref<128xi32, #tpu.memory_space<vmem>>) dst(%dma_wait3A_10 : memref<128xi32, #tpu.memory_space<hbm>>)
      tpu.yield
    }) : () -> ()
    return
  }
}

#map = affine_map<(d0, d1) -> (0, 0)>
#map1 = affine_map<(d0, d1) -> (0)>
module attributes {stable_mosaic.version = 14 : i64} {
  func.func @kfn(%arg0: i32, %arg1: i32, %arg2: memref<1024x4096xf32, #tpu.memory_space<hbm>>, %arg3: memref<4096x144xf32, #tpu.memory_space<hbm>>, %arg4: memref<65536x144xf32, #tpu.memory_space<hbm>>, %arg5: memref<1024xi32, #tpu.memory_space<hbm>>, %arg6: memref<4096xf32, #tpu.memory_space<vmem>>, %arg7: memref<64xi32, #tpu.memory_space<vmem>>, %arg8: memref<64x144xf32, #tpu.memory_space<vmem>>, %arg9: memref<32xi32, #tpu.memory_space<vmem>>, %arg10: memref<!tpu.dma_semaphore, #tpu.memory_space<semaphore_mem>>) attributes {dimension_semantics = [#tpu.dimension_semantics<core_parallel>, #tpu.dimension_semantics<subcore_parallel>], iteration_bounds = array<i64: 2, 16>, scalar_prefetch = 0 : i64, scratch_operands = 5 : i64, tpu.core_type = #tpu.core_type<sc_vector_subcore>, window_params = [{transform_indices = #map}, {transform_indices = #map}, {transform_indices = #map}, {transform_indices = #map1}]} {
    %mul3A = arith.constant 2 : i32
    %mul3A_0 = arith.muli %arg1, %mul3A : i32
    %add3A = arith.addi %mul3A_0, %arg0 : i32
    %mul3A_1 = arith.constant 32 : i32
    %mul3A_2 = arith.muli %add3A, %mul3A_1 : i32
    %iota3A = tpu.iota {dimensions = array<i32: 0>} : vector<16xi32>
    %broadcast_in_dim3A = arith.constant 0 : i32
    %broadcast_in_dim3A_3 = vector.broadcast %broadcast_in_dim3A : i32 to vector<16xi32>
    %scan3A = arith.constant 0 : i32
    %scan3A_4 = arith.constant 0 : i32
    %scan3A_5 = arith.constant 32 : i32
    %scan3A_6 = arith.addi %scan3A_4, %scan3A_5 : i32
    %scan3A_7 = arith.constant 1 : i32
    scf.for %scan3A_9 = %scan3A_4 to %scan3A_6 step %scan3A_7  : i32 {
      %add3A_10 = arith.addi %mul3A_2, %scan3A_9 : i32
      "tpu.region"() ({
        %run_scoped3A = tpu.sem_alloc : memref<!tpu.dma_semaphore, #tpu.memory_space<semaphore_mem>>
        %dma_start3A_36 = arith.constant 0 : i32
        %dma_start3A_37 = tpu.memref_slice %arg2[%add3A_10, %dma_start3A_36] : memref<1024x4096xf32, #tpu.memory_space<hbm>> -> memref<1x4096xf32, #tpu.memory_space<hbm>>
        %dma_start3A_38 = tpu.memref_squeeze %dma_start3A_37 : memref<1x4096xf32, #tpu.memory_space<hbm>> -> memref<4096xf32, #tpu.memory_space<hbm>>
        %dma_start3A_39 = arith.constant 0 : i32
        %dma_start3A_40 = tpu.memref_slice %arg2[%add3A_10, %dma_start3A_39] : memref<1024x4096xf32, #tpu.memory_space<hbm>> -> memref<1x4096xf32, #tpu.memory_space<hbm>>
        %dma_start3A_41 = tpu.memref_squeeze %dma_start3A_40 : memref<1x4096xf32, #tpu.memory_space<hbm>> -> memref<4096xf32, #tpu.memory_space<hbm>>
        tpu.enqueue_dma source(%dma_start3A_41 : memref<4096xf32, #tpu.memory_space<hbm>>) target(%arg6 : memref<4096xf32, #tpu.memory_space<vmem>>) target_semaphore(%run_scoped3A : memref<!tpu.dma_semaphore, #tpu.memory_space<semaphore_mem>>)
        %dma_wait3A_42 = arith.constant 0 : i32
        %dma_wait3A_43 = tpu.memref_slice %arg2[%add3A_10, %dma_wait3A_42] : memref<1024x4096xf32, #tpu.memory_space<hbm>> -> memref<1x4096xf32, #tpu.memory_space<hbm>>
        %dma_wait3A_44 = tpu.memref_squeeze %dma_wait3A_43 : memref<1x4096xf32, #tpu.memory_space<hbm>> -> memref<4096xf32, #tpu.memory_space<hbm>>
        %dma_wait3A_45 = arith.constant 0 : i32
        %dma_wait3A_46 = tpu.memref_slice %arg2[%add3A_10, %dma_wait3A_45] : memref<1024x4096xf32, #tpu.memory_space<hbm>> -> memref<1x4096xf32, #tpu.memory_space<hbm>>
        %dma_wait3A_47 = tpu.memref_squeeze %dma_wait3A_46 : memref<1x4096xf32, #tpu.memory_space<hbm>> -> memref<4096xf32, #tpu.memory_space<hbm>>
        tpu.wait_dma2 semaphore(%run_scoped3A : memref<!tpu.dma_semaphore, #tpu.memory_space<semaphore_mem>>) src(%dma_wait3A_47 : memref<4096xf32, #tpu.memory_space<hbm>>) dst(%arg6 : memref<4096xf32, #tpu.memory_space<vmem>>)
        tpu.yield
      }) : () -> ()
      %swap3A = arith.constant 0 : index
      %swap3A_11 = tpu.vector_load %arg7[%swap3A] {strides = array<i32>} : memref<64xi32, #tpu.memory_space<vmem>>, vector<16xi32>,
      tpu.vector_store %arg7[%swap3A], %broadcast_in_dim3A_3 {strides = array<i32>} : memref<64xi32, #tpu.memory_space<vmem>>, vector<16xi32>,
      %swap3A_12 = arith.constant 16 : index
      %swap3A_13 = tpu.vector_load %arg7[%swap3A_12] {strides = array<i32>} : memref<64xi32, #tpu.memory_space<vmem>>, vector<16xi32>,
      tpu.vector_store %arg7[%swap3A_12], %broadcast_in_dim3A_3 {strides = array<i32>} : memref<64xi32, #tpu.memory_space<vmem>>, vector<16xi32>,
      %swap3A_14 = arith.constant 32 : index
      %swap3A_15 = tpu.vector_load %arg7[%swap3A_14] {strides = array<i32>} : memref<64xi32, #tpu.memory_space<vmem>>, vector<16xi32>,
      tpu.vector_store %arg7[%swap3A_14], %broadcast_in_dim3A_3 {strides = array<i32>} : memref<64xi32, #tpu.memory_space<vmem>>, vector<16xi32>,
      %swap3A_16 = arith.constant 48 : index
      %swap3A_17 = tpu.vector_load %arg7[%swap3A_16] {strides = array<i32>} : memref<64xi32, #tpu.memory_space<vmem>>, vector<16xi32>,
      tpu.vector_store %arg7[%swap3A_16], %broadcast_in_dim3A_3 {strides = array<i32>} : memref<64xi32, #tpu.memory_space<vmem>>, vector<16xi32>,
      %scan3A_18 = arith.constant 0 : i32
      %scan3A_19 = arith.constant 0 : i32
      %scan3A_20 = arith.constant 256 : i32
      %scan3A_21 = arith.addi %scan3A_19, %scan3A_20 : i32
      %scan3A_22 = arith.constant 1 : i32
      %scan3A_23 = scf.for %scan3A_36 = %scan3A_19 to %scan3A_21 step %scan3A_22 iter_args(%scan3A_37 = %scan3A_18) -> (i32)  : i32 {
        %mul3A_38 = arith.constant 16 : i32
        %mul3A_39 = arith.muli %scan3A_36, %mul3A_38 : i32
        %get3A = arith.index_cast %mul3A_39 : i32 to index
        %get3A_40 = tpu.vector_load %arg6[%get3A] {strides = array<i32>} : memref<4096xf32, #tpu.memory_space<vmem>>, vector<16xf32>,
        %le3A = arith.constant 0.000000e+00 : f32
        %le3A_41 = vector.broadcast %le3A : f32 to vector<16xf32>
        %le3A_42 = arith.cmpf ole, %get3A_40, %le3A_41 : vector<16xf32>
        %jit3A = arith.constant 1 : i32
        %jit3A_43 = arith.constant 0 : i32
        %broadcast_in_dim3A_44 = vector.broadcast %jit3A : i32 to vector<16xi32>
        %broadcast_in_dim3A_45 = vector.broadcast %jit3A_43 : i32 to vector<16xi32>
        %select_n3A = arith.select %le3A_42, %broadcast_in_dim3A_44, %broadcast_in_dim3A_45 : vector<16xi1>, vector<16xi32>
        %broadcast_in_dim3A_46 = arith.constant true
        %broadcast_in_dim3A_47 = vector.broadcast %broadcast_in_dim3A_46 : i1 to vector<16xi1>
        %masked_cumsum3A = tpu.scan <sum>, %select_n3A masked %broadcast_in_dim3A_47 : vector<16xi32>, vector<16xi1> -> vector<16xi32>
        %sub3A = arith.constant 1 : i32
        %sub3A_48 = vector.broadcast %sub3A : i32 to vector<16xi32>
        %sub3A_49 = arith.subi %masked_cumsum3A, %sub3A_48 : vector<16xi32>
        %add3A_50 = vector.broadcast %scan3A_37 : i32 to vector<16xi32>
        %add3A_51 = arith.addi %sub3A_49, %add3A_50 : vector<16xi32>
        %lt3A = arith.constant 64 : i32
        %lt3A_52 = vector.broadcast %lt3A : i32 to vector<16xi32>
        %lt3A_53 = arith.cmpi slt, %add3A_51, %lt3A_52 : vector<16xi32>
        %and3A = arith.andi %le3A_42, %lt3A_53 : vector<16xi1>
        %mul3A_54 = arith.constant 16 : i32
        %mul3A_55 = arith.muli %scan3A_36, %mul3A_54 : i32
        %add3A_56 = vector.broadcast %mul3A_55 : i32 to vector<16xi32>
        %add3A_57 = arith.addi %add3A_56, %iota3A : vector<16xi32>
        tpu.vector_store_idx %arg7[%add3A_51], %add3A_57 masked %and3A : memref<64xi32, #tpu.memory_space<vmem>>[vector<16xi32>], vector<16xi32>, vector<16xi1>
        %reduce_max3A = arith.constant true
        %reduce_max3A_58 = vector.broadcast %reduce_max3A : i1 to vector<16xi1>
        %reduce_max3A_59 = arith.constant -2147483648 : i32
        %reduce_max3A_60 = vector.broadcast %reduce_max3A_59 : i32 to vector<16xi32>
        %reduce_max3A_61 = arith.xori %masked_cumsum3A, %reduce_max3A_60 : vector<16xi32>
        %reduce_max3A_62 = tpu.scan <max>, %reduce_max3A_61 masked %reduce_max3A_58 : vector<16xi32>, vector<16xi1> -> vector<16xi32>
        %reduce_max3A_63 = arith.xori %reduce_max3A_62, %reduce_max3A_60 : vector<16xi32>
        %reduce_max3A_64 = vector.extract %reduce_max3A_63[15] : i32 from vector<16xi32>
        %add3A_65 = arith.addi %scan3A_37, %reduce_max3A_64 : i32
        scf.yield %add3A_65 : i32
      }
      %scan3A_24 = arith.constant 256 : i32
      %min3A = arith.constant 64 : i32
      %min3A_25 = arith.minsi %scan3A_23, %min3A : i32
      %broadcast_in_dim3A_26 = vector.broadcast %scan3A_9 : i32 to vector<16xi32>
      %broadcast_in_dim3A_27 = vector.broadcast %min3A_25 : i32 to vector<16xi32>
      %eq3A = arith.constant 0 : i32
      %eq3A_28 = vector.broadcast %eq3A : i32 to vector<16xi32>
      %eq3A_29 = arith.cmpi eq, %iota3A, %eq3A_28 : vector<16xi32>
      tpu.vector_store_idx %arg9[%broadcast_in_dim3A_26], %broadcast_in_dim3A_27 masked %eq3A_29 : memref<32xi32, #tpu.memory_space<vmem>>[vector<16xi32>], vector<16xi32>, vector<16xi1>
      %dma_start3A = arith.constant 0 : i32
      %dma_start3A_30 = arith.constant 0 : i32
      %dma_start3A_31 = tpu.memref_slice %arg3[%dma_start3A, %dma_start3A_30] : memref<4096x144xf32, #tpu.memory_space<hbm>> -> memref<4096x144xf32, #tpu.memory_space<hbm>>
      tpu.enqueue_indirect_dma source(%dma_start3A_31 : memref<4096x144xf32, #tpu.memory_space<hbm>>) target(%arg8 : memref<64x144xf32, #tpu.memory_space<vmem>>) offsets(%arg7 : memref<64xi32, #tpu.memory_space<vmem>>) semaphore(%arg10 : memref<!tpu.dma_semaphore, #tpu.memory_space<semaphore_mem>>)
      %dma_wait3A = arith.constant 0 : i32
      %dma_wait3A_32 = arith.constant 0 : i32
      %dma_wait3A_33 = tpu.memref_slice %arg3[%dma_wait3A, %dma_wait3A_32] : memref<4096x144xf32, #tpu.memory_space<hbm>> -> memref<4096x144xf32, #tpu.memory_space<hbm>>
      tpu.wait_indirect_dma semaphore(%arg10 : memref<!tpu.dma_semaphore, #tpu.memory_space<semaphore_mem>>) src(%dma_wait3A_33 : memref<4096x144xf32, #tpu.memory_space<hbm>>) dst(%arg8 : memref<64x144xf32, #tpu.memory_space<vmem>>)
      %mul3A_34 = arith.constant 64 : i32
      %mul3A_35 = arith.muli %add3A_10, %mul3A_34 : i32
      "tpu.region"() ({
        %run_scoped3A = tpu.sem_alloc : memref<!tpu.dma_semaphore, #tpu.memory_space<semaphore_mem>>
        %dma_start3A_36 = arith.constant 0 : i32
        %dma_start3A_37 = tpu.memref_slice %arg4[%mul3A_35, %dma_start3A_36] : memref<65536x144xf32, #tpu.memory_space<hbm>> -> memref<64x144xf32, #tpu.memory_space<hbm>>
        %dma_start3A_38 = arith.constant 0 : i32
        %dma_start3A_39 = tpu.memref_slice %arg4[%mul3A_35, %dma_start3A_38] : memref<65536x144xf32, #tpu.memory_space<hbm>> -> memref<64x144xf32, #tpu.memory_space<hbm>>
        tpu.enqueue_dma source(%arg8 : memref<64x144xf32, #tpu.memory_space<vmem>>) target(%dma_start3A_39 : memref<64x144xf32, #tpu.memory_space<hbm>>) target_semaphore(%run_scoped3A : memref<!tpu.dma_semaphore, #tpu.memory_space<semaphore_mem>>)
        %dma_wait3A_40 = arith.constant 0 : i32
        %dma_wait3A_41 = tpu.memref_slice %arg4[%mul3A_35, %dma_wait3A_40] : memref<65536x144xf32, #tpu.memory_space<hbm>> -> memref<64x144xf32, #tpu.memory_space<hbm>>
        %dma_wait3A_42 = arith.constant 0 : i32
        %dma_wait3A_43 = tpu.memref_slice %arg4[%mul3A_35, %dma_wait3A_42] : memref<65536x144xf32, #tpu.memory_space<hbm>> -> memref<64x144xf32, #tpu.memory_space<hbm>>
        tpu.wait_dma2 semaphore(%run_scoped3A : memref<!tpu.dma_semaphore, #tpu.memory_space<semaphore_mem>>) src(%arg8 : memref<64x144xf32, #tpu.memory_space<vmem>>) dst(%dma_wait3A_43 : memref<64x144xf32, #tpu.memory_space<hbm>>)
        tpu.yield
      }) : () -> ()
    }
    %scan3A_8 = arith.constant 32 : i32
    "tpu.region"() ({
      %run_scoped3A = tpu.sem_alloc : memref<!tpu.dma_semaphore, #tpu.memory_space<semaphore_mem>>
      %dma_start3A = tpu.memref_slice %arg5[%mul3A_2] : memref<1024xi32, #tpu.memory_space<hbm>> -> memref<32xi32, #tpu.memory_space<hbm>>
      %dma_start3A_9 = tpu.memref_slice %arg5[%mul3A_2] : memref<1024xi32, #tpu.memory_space<hbm>> -> memref<32xi32, #tpu.memory_space<hbm>>
      tpu.enqueue_dma source(%arg9 : memref<32xi32, #tpu.memory_space<vmem>>) target(%dma_start3A_9 : memref<32xi32, #tpu.memory_space<hbm>>) target_semaphore(%run_scoped3A : memref<!tpu.dma_semaphore, #tpu.memory_space<semaphore_mem>>)
      %dma_wait3A = tpu.memref_slice %arg5[%mul3A_2] : memref<1024xi32, #tpu.memory_space<hbm>> -> memref<32xi32, #tpu.memory_space<hbm>>
      %dma_wait3A_10 = tpu.memref_slice %arg5[%mul3A_2] : memref<1024xi32, #tpu.memory_space<hbm>> -> memref<32xi32, #tpu.memory_space<hbm>>
      tpu.wait_dma2 semaphore(%run_scoped3A : memref<!tpu.dma_semaphore, #tpu.memory_space<semaphore_mem>>) src(%arg9 : memref<32xi32, #tpu.memory_space<vmem>>) dst(%dma_wait3A_10 : memref<32xi32, #tpu.memory_space<hbm>>)
      tpu.yield
    }) : () -> ()
    return
  }
}

module attributes {stable_mosaic.version = 14 : i64} {
  func.func @_thresh_body(%arg0: i32, %arg1: memref<256x128xf32, #tpu.memory_space<vmem>>, %arg2: memref<1x8192xf32, #tpu.memory_space<vmem>>, %arg3: memref<1x8192xf32, #tpu.memory_space<vmem>>, %arg4: memref<1x8192xf32, #tpu.memory_space<vmem>>, %arg5: memref<256x8192xf32, #tpu.memory_space<vmem>>) attributes {dimension_semantics = [#tpu.dimension_semantics<arbitrary>], iteration_bounds = array<i64: 16>, scalar_prefetch = 0 : i64, scratch_operands = 0 : i64, tpu.core_type = #tpu.core_type<tc>, window_params = [{transform_indices = @transform_0, window_bounds = array<i64: 256, 128>}, {pipeline_mode = #tpu.pipeline_mode<synchronous>, transform_indices = @transform_1, window_bounds = array<i64: 1, 8192>}, {pipeline_mode = #tpu.pipeline_mode<synchronous>, transform_indices = @transform_2, window_bounds = array<i64: 1, 8192>}, {pipeline_mode = #tpu.pipeline_mode<synchronous>, transform_indices = @transform_3, window_bounds = array<i64: 1, 8192>}, {transform_indices = @transform_4, window_bounds = array<i64: 256, 8192>}]} {
    %get3A = arith.constant 0 : index
    %get3A_0 = arith.constant 0 : index
    %get3A_1 = vector.load %arg1[%get3A, %get3A_0] : memref<256x128xf32, #tpu.memory_space<vmem>>, vector<256x1xf32>
    %get3A_2 = arith.constant 0 : index
    %get3A_3 = arith.constant 1 : index
    %get3A_4 = vector.load %arg1[%get3A_2, %get3A_3] : memref<256x128xf32, #tpu.memory_space<vmem>>, vector<256x1xf32>
    %get3A_5 = arith.constant 0 : index
    %get3A_6 = arith.constant 2 : index
    %get3A_7 = vector.load %arg1[%get3A_5, %get3A_6] : memref<256x128xf32, #tpu.memory_space<vmem>>, vector<256x1xf32>
    %get3A_8 = arith.constant 0 : index
    %get3A_9 = arith.constant 0 : index
    %get3A_10 = vector.load %arg2[%get3A_8, %get3A_9] : memref<1x8192xf32, #tpu.memory_space<vmem>>, vector<1x8192xf32>
    %sub3A = vector.broadcast %get3A_1 : vector<256x1xf32> to vector<256x8192xf32>
    %sub3A_11 = vector.broadcast %get3A_10 : vector<1x8192xf32> to vector<256x8192xf32>
    %sub3A_12 = arith.subf %sub3A, %sub3A_11 : vector<256x8192xf32>
    %integer_pow3A = arith.mulf %sub3A_12, %sub3A_12 : vector<256x8192xf32>
    %get3A_13 = arith.constant 0 : index
    %get3A_14 = arith.constant 0 : index
    %get3A_15 = vector.load %arg3[%get3A_13, %get3A_14] : memref<1x8192xf32, #tpu.memory_space<vmem>>, vector<1x8192xf32>
    %sub3A_16 = vector.broadcast %get3A_4 : vector<256x1xf32> to vector<256x8192xf32>
    %sub3A_17 = vector.broadcast %get3A_15 : vector<1x8192xf32> to vector<256x8192xf32>
    %sub3A_18 = arith.subf %sub3A_16, %sub3A_17 : vector<256x8192xf32>
    %integer_pow3A_19 = arith.mulf %sub3A_18, %sub3A_18 : vector<256x8192xf32>
    %add3A = arith.addf %integer_pow3A, %integer_pow3A_19 : vector<256x8192xf32>
    %get3A_20 = arith.constant 0 : index
    %get3A_21 = arith.constant 0 : index
    %get3A_22 = vector.load %arg4[%get3A_20, %get3A_21] : memref<1x8192xf32, #tpu.memory_space<vmem>>, vector<1x8192xf32>
    %sub3A_23 = vector.broadcast %get3A_7 : vector<256x1xf32> to vector<256x8192xf32>
    %sub3A_24 = vector.broadcast %get3A_22 : vector<1x8192xf32> to vector<256x8192xf32>
    %sub3A_25 = arith.subf %sub3A_23, %sub3A_24 : vector<256x8192xf32>
    %integer_pow3A_26 = arith.mulf %sub3A_25, %sub3A_25 : vector<256x8192xf32>
    %add3A_27 = arith.addf %add3A, %integer_pow3A_26 : vector<256x8192xf32>
    %le3A = arith.constant 4.000000e-02 : f32
    %le3A_28 = vector.broadcast %le3A : f32 to vector<256x8192xf32>
    %le3A_29 = arith.cmpf ole, %add3A_27, %le3A_28 : vector<256x8192xf32>
    %jit3A = arith.constant 1.000000e+00 : f32
    %jit3A_30 = arith.constant 0.000000e+00 : f32
    %broadcast_in_dim3A = vector.broadcast %jit3A : f32 to vector<256x8192xf32>
    %broadcast_in_dim3A_31 = vector.broadcast %jit3A_30 : f32 to vector<256x8192xf32>
    %select_n3A = arith.select %le3A_29, %broadcast_in_dim3A, %broadcast_in_dim3A_31 : vector<256x8192xi1>, vector<256x8192xf32>
    %reduce_sum3A = arith.constant dense<0.000000e+00> : vector<256xf32>
    %reduce_sum3A_32 = vector.multi_reduction <add>, %select_n3A, %reduce_sum3A [1] : vector<256x8192xf32> to vector<256xf32>
    %broadcast_in_dim3A_33 = vector.shape_cast %reduce_sum3A_32 : vector<256xf32> to vector<256x1xf32>
    %broadcast_in_dim3A_34 = arith.constant 0 : i32
    %broadcast_in_dim3A_35 = vector.broadcast %broadcast_in_dim3A_34 : i32 to vector<256x1xi32>
    %broadcast_in_dim3A_36 = arith.constant 1025758986 : i32
    %broadcast_in_dim3A_37 = vector.broadcast %broadcast_in_dim3A_36 : i32 to vector<256x1xi32>
    %scan3A = arith.constant 0 : i32
    %scan3A_38 = arith.constant 31 : i32
    %scan3A_39 = arith.addi %scan3A, %scan3A_38 : i32
    %scan3A_40 = arith.constant 1 : i32
    %scan3A_41:2 = scf.for %scan3A_51 = %scan3A to %scan3A_39 step %scan3A_40 iter_args(%scan3A_52 = %broadcast_in_dim3A_35, %scan3A_53 = %broadcast_in_dim3A_37) -> (vector<256x1xi32>, vector<256x1xi32>)  : i32 {
      %add3A_54 = arith.addi %scan3A_52, %scan3A_53 : vector<256x1xi32>
      %div3A = arith.constant 2 : i32
      %div3A_55 = vector.broadcast %div3A : i32 to vector<256x1xi32>
      %div3A_56 = arith.divsi %add3A_54, %div3A_55 : vector<256x1xi32>
      %bitcast3A_57 = tpu.bitcast %div3A_56 : vector<256x1xi32> -> vector<256x1xf32>
      %le3A_58 = vector.broadcast %bitcast3A_57 : vector<256x1xf32> to vector<256x8192xf32>
      %le3A_59 = arith.cmpf ole, %add3A_27, %le3A_58 : vector<256x8192xf32>
      %jit3A_60 = arith.constant 1.000000e+00 : f32
      %jit3A_61 = arith.constant 0.000000e+00 : f32
      %broadcast_in_dim3A_62 = vector.broadcast %jit3A_60 : f32 to vector<256x8192xf32>
      %broadcast_in_dim3A_63 = vector.broadcast %jit3A_61 : f32 to vector<256x8192xf32>
      %select_n3A_64 = arith.select %le3A_59, %broadcast_in_dim3A_62, %broadcast_in_dim3A_63 : vector<256x8192xi1>, vector<256x8192xf32>
      %reduce_sum3A_65 = arith.constant dense<0.000000e+00> : vector<256xf32>
      %reduce_sum3A_66 = vector.multi_reduction <add>, %select_n3A_64, %reduce_sum3A_65 [1] : vector<256x8192xf32> to vector<256xf32>
      %broadcast_in_dim3A_67 = vector.shape_cast %reduce_sum3A_66 : vector<256xf32> to vector<256x1xf32>
      %ge3A_68 = arith.constant 6.400000e+01 : f32
      %ge3A_69 = vector.broadcast %ge3A_68 : f32 to vector<256x1xf32>
      %ge3A_70 = arith.cmpf oge, %broadcast_in_dim3A_67, %ge3A_69 : vector<256x1xf32>
      %select_n3A_71 = arith.select %ge3A_70, %div3A_56, %scan3A_53 : vector<256x1xi1>, vector<256x1xi32>
      %add3A_72 = arith.constant 1 : i32
      %add3A_73 = vector.broadcast %add3A_72 : i32 to vector<256x1xi32>
      %add3A_74 = arith.addi %div3A_56, %add3A_73 : vector<256x1xi32>
      %select_n3A_75 = arith.select %ge3A_70, %scan3A_52, %add3A_74 : vector<256x1xi1>, vector<256x1xi32>
      scf.yield %select_n3A_75, %select_n3A_71 : vector<256x1xi32>, vector<256x1xi32>
    }
    %bitcast3A = tpu.bitcast %scan3A_41#1 : vector<256x1xi32> -> vector<256x1xf32>
    %ge3A = arith.constant 6.400000e+01 : f32
    %ge3A_42 = vector.broadcast %ge3A : f32 to vector<256x1xf32>
    %ge3A_43 = arith.cmpf oge, %broadcast_in_dim3A_33, %ge3A_42 : vector<256x1xf32>
    %jit3A_44 = arith.constant 4.000000e-02 : f32
    %broadcast_in_dim3A_45 = vector.broadcast %jit3A_44 : f32 to vector<256x1xf32>
    %select_n3A_46 = arith.select %ge3A_43, %bitcast3A, %broadcast_in_dim3A_45 : vector<256x1xi1>, vector<256x1xf32>
    %sub3A_47 = vector.broadcast %select_n3A_46 : vector<256x1xf32> to vector<256x8192xf32>
    %sub3A_48 = arith.subf %add3A_27, %sub3A_47 : vector<256x8192xf32>
    %swap3A = arith.constant 0 : index
    %swap3A_49 = arith.constant 0 : index
    %swap3A_50 = vector.load %arg5[%swap3A, %swap3A_49] : memref<256x8192xf32, #tpu.memory_space<vmem>>, vector<256x8192xf32>
    tpu.vector_store %arg5[%swap3A, %swap3A_49], %sub3A_48 {strides = array<i32>} : memref<256x8192xf32, #tpu.memory_space<vmem>>, vector<256x8192xf32>,
    return
  }
  func.func @transform_0(%arg0: i32) -> (i32, i32) {
    %c0_i32 = arith.constant 0 : i32
    %c0_i32_0 = arith.constant 0 : i32
    return %arg0, %c0_i32 : i32, i32
  }
  func.func @transform_1(%arg0: i32) -> (i32, i32) {
    %c0_i32 = arith.constant 0 : i32
    %c0_i32_0 = arith.constant 0 : i32
    %c0_i32_1 = arith.constant 0 : i32
    return %c0_i32, %c0_i32_0 : i32, i32
  }
  func.func @transform_2(%arg0: i32) -> (i32, i32) {
    %c0_i32 = arith.constant 0 : i32
    %c0_i32_0 = arith.constant 0 : i32
    %c0_i32_1 = arith.constant 0 : i32
    return %c0_i32, %c0_i32_0 : i32, i32
  }
  func.func @transform_3(%arg0: i32) -> (i32, i32) {
    %c0_i32 = arith.constant 0 : i32
    %c0_i32_0 = arith.constant 0 : i32
    %c0_i32_1 = arith.constant 0 : i32
    return %c0_i32, %c0_i32_0 : i32, i32
  }
  func.func @transform_4(%arg0: i32) -> (i32, i32) {
    %c0_i32 = arith.constant 0 : i32
    %c0_i32_0 = arith.constant 0 : i32
    return %arg0, %c0_i32 : i32, i32
  }
}

module attributes {stable_mosaic.version = 14 : i64} {
  func.func @_fps_body(%arg0: memref<8x1024xf32, #tpu.memory_space<vmem>>, %arg1: memref<8x1024xf32, #tpu.memory_space<vmem>>, %arg2: memref<8x1024xf32, #tpu.memory_space<vmem>>, %arg3: memref<4096x128xf32, #tpu.memory_space<vmem>>) attributes {dimension_semantics = [], scalar_prefetch = 0 : i64, scratch_operands = 0 : i64, tpu.core_type = #tpu.core_type<tc>} {
    %iota3A = tpu.iota {dimensions = array<i32: 0>} : vector<8x1024xi32>
    %iota3A_0 = tpu.iota {dimensions = array<i32: 1>} : vector<8x1024xi32>
    %mul3A = arith.constant 1024 : i32
    %mul3A_1 = vector.broadcast %mul3A : i32 to vector<8x1024xi32>
    %mul3A_2 = arith.muli %iota3A, %mul3A_1 : vector<8x1024xi32>
    %add3A = arith.addi %mul3A_2, %iota3A_0 : vector<8x1024xi32>
    %iota3A_3 = tpu.iota {dimensions = array<i32: 1>} : vector<1x128xi32>
    %get3A = arith.constant 0 : index
    %get3A_4 = arith.constant 0 : index
    %get3A_5 = vector.load %arg0[%get3A, %get3A_4] : memref<8x1024xf32, #tpu.memory_space<vmem>>, vector<8x1024xf32>
    %get3A_6 = arith.constant 0 : index
    %get3A_7 = arith.constant 0 : index
    %get3A_8 = vector.load %arg1[%get3A_6, %get3A_7] : memref<8x1024xf32, #tpu.memory_space<vmem>>, vector<8x1024xf32>
    %get3A_9 = arith.constant 0 : index
    %get3A_10 = arith.constant 0 : index
    %get3A_11 = vector.load %arg2[%get3A_9, %get3A_10] : memref<8x1024xf32, #tpu.memory_space<vmem>>, vector<8x1024xf32>
    %get3A_12 = arith.constant 0 : index
    %get3A_13 = arith.constant 0 : index
    %get3A_14 = vector.load %arg0[%get3A_12, %get3A_13] : memref<8x1024xf32, #tpu.memory_space<vmem>>, vector<1x1xf32>
    %get3A_15 = vector.extract %get3A_14[0, 0] : f32 from vector<1x1xf32>
    %get3A_16 = arith.constant 0 : index
    %get3A_17 = arith.constant 0 : index
    %get3A_18 = vector.load %arg1[%get3A_16, %get3A_17] : memref<8x1024xf32, #tpu.memory_space<vmem>>, vector<1x1xf32>
    %get3A_19 = vector.extract %get3A_18[0, 0] : f32 from vector<1x1xf32>
    %get3A_20 = arith.constant 0 : index
    %get3A_21 = arith.constant 0 : index
    %get3A_22 = vector.load %arg2[%get3A_20, %get3A_21] : memref<8x1024xf32, #tpu.memory_space<vmem>>, vector<1x1xf32>
    %get3A_23 = vector.extract %get3A_22[0, 0] : f32 from vector<1x1xf32>
    %eq3A = arith.constant 0 : i32
    %eq3A_24 = vector.broadcast %eq3A : i32 to vector<1x128xi32>
    %eq3A_25 = arith.cmpi eq, %iota3A_3, %eq3A_24 : vector<1x128xi32>
    %jit3A = arith.constant 0.000000e+00 : f32
    %broadcast_in_dim3A = vector.broadcast %get3A_15 : f32 to vector<1x128xf32>
    %broadcast_in_dim3A_26 = vector.broadcast %jit3A : f32 to vector<1x128xf32>
    %select_n3A = arith.select %eq3A_25, %broadcast_in_dim3A, %broadcast_in_dim3A_26 : vector<1x128xi1>, vector<1x128xf32>
    %eq3A_27 = arith.constant 1 : i32
    %eq3A_28 = vector.broadcast %eq3A_27 : i32 to vector<1x128xi32>
    %eq3A_29 = arith.cmpi eq, %iota3A_3, %eq3A_28 : vector<1x128xi32>
    %jit3A_30 = arith.constant 0.000000e+00 : f32
    %broadcast_in_dim3A_31 = vector.broadcast %get3A_19 : f32 to vector<1x128xf32>
    %broadcast_in_dim3A_32 = vector.broadcast %jit3A_30 : f32 to vector<1x128xf32>
    %select_n3A_33 = arith.select %eq3A_29, %broadcast_in_dim3A_31, %broadcast_in_dim3A_32 : vector<1x128xi1>, vector<1x128xf32>
    %add3A_34 = arith.addf %select_n3A, %select_n3A_33 : vector<1x128xf32>
    %eq3A_35 = arith.constant 2 : i32
    %eq3A_36 = vector.broadcast %eq3A_35 : i32 to vector<1x128xi32>
    %eq3A_37 = arith.cmpi eq, %iota3A_3, %eq3A_36 : vector<1x128xi32>
    %jit3A_38 = arith.constant 0.000000e+00 : f32
    %broadcast_in_dim3A_39 = vector.broadcast %get3A_23 : f32 to vector<1x128xf32>
    %broadcast_in_dim3A_40 = vector.broadcast %jit3A_38 : f32 to vector<1x128xf32>
    %select_n3A_41 = arith.select %eq3A_37, %broadcast_in_dim3A_39, %broadcast_in_dim3A_40 : vector<1x128xi1>, vector<1x128xf32>
    %add3A_42 = arith.addf %add3A_34, %select_n3A_41 : vector<1x128xf32>
    %swap3A = arith.constant 0 : index
    %swap3A_43 = arith.constant 0 : index
    %swap3A_44 = vector.load %arg3[%swap3A, %swap3A_43] : memref<4096x128xf32, #tpu.memory_space<vmem>>, vector<1x128xf32>
    tpu.vector_store %arg3[%swap3A, %swap3A_43], %add3A_42 {strides = array<i32>} : memref<4096x128xf32, #tpu.memory_space<vmem>>, vector<1x128xf32>,
    %broadcast_in_dim3A_45 = arith.constant 0x7F800000 : f32
    %broadcast_in_dim3A_46 = vector.broadcast %broadcast_in_dim3A_45 : f32 to vector<8x1024xf32>
    %scan3A = arith.constant 1 : i32
    %scan3A_47 = arith.constant 4095 : i32
    %scan3A_48 = arith.addi %scan3A, %scan3A_47 : i32
    %scan3A_49 = arith.constant 1 : i32
    %scan3A_50:4 = scf.for %scan3A_52 = %scan3A to %scan3A_48 step %scan3A_49 iter_args(%scan3A_53 = %broadcast_in_dim3A_46, %scan3A_54 = %get3A_15, %scan3A_55 = %get3A_19, %scan3A_56 = %get3A_23) -> (vector<8x1024xf32>, f32, f32, f32)  : i32 {
      %sub3A = vector.broadcast %scan3A_54 : f32 to vector<8x1024xf32>
      %sub3A_57 = arith.subf %get3A_5, %sub3A : vector<8x1024xf32>
      %integer_pow3A = arith.mulf %sub3A_57, %sub3A_57 : vector<8x1024xf32>
      %sub3A_58 = vector.broadcast %scan3A_55 : f32 to vector<8x1024xf32>
      %sub3A_59 = arith.subf %get3A_8, %sub3A_58 : vector<8x1024xf32>
      %integer_pow3A_60 = arith.mulf %sub3A_59, %sub3A_59 : vector<8x1024xf32>
      %add3A_61 = arith.addf %integer_pow3A, %integer_pow3A_60 : vector<8x1024xf32>
      %sub3A_62 = vector.broadcast %scan3A_56 : f32 to vector<8x1024xf32>
      %sub3A_63 = arith.subf %get3A_11, %sub3A_62 : vector<8x1024xf32>
      %integer_pow3A_64 = arith.mulf %sub3A_63, %sub3A_63 : vector<8x1024xf32>
      %add3A_65 = arith.addf %add3A_61, %integer_pow3A_64 : vector<8x1024xf32>
      %min3A = arith.minimumf %scan3A_53, %add3A_65 : vector<8x1024xf32>
      %reduce_max3A = vector.shape_cast %min3A : vector<8x1024xf32> to vector<1x8x1024xf32>
      %reduce_max3A_66 = arith.constant dense<0xFF800000> : vector<1xf32>
      %reduce_max3A_67 = vector.multi_reduction <maximumf>, %reduce_max3A, %reduce_max3A_66 [1, 2] : vector<1x8x1024xf32> to vector<1xf32>
      %reduce_max3A_68 = vector.shape_cast %reduce_max3A_67 : vector<1xf32> to vector<1x1x1xf32>
      %reduce_max3A_69 = vector.extract %reduce_max3A_68[0, 0, 0] : f32 from vector<1x1x1xf32>
      %eq3A_70 = vector.broadcast %reduce_max3A_69 : f32 to vector<8x1024xf32>
      %eq3A_71 = arith.cmpf oeq, %min3A, %eq3A_70 : vector<8x1024xf32>
      %jit3A_72 = arith.constant 1073741824 : i32
      %broadcast_in_dim3A_73 = vector.broadcast %jit3A_72 : i32 to vector<8x1024xi32>
      %select_n3A_74 = arith.select %eq3A_71, %add3A, %broadcast_in_dim3A_73 : vector<8x1024xi1>, vector<8x1024xi32>
      %reduce_min3A = vector.shape_cast %select_n3A_74 : vector<8x1024xi32> to vector<1x8x1024xi32>
      %reduce_min3A_75 = arith.constant dense<2147483647> : vector<1xi32>
      %reduce_min3A_76 = vector.multi_reduction <minsi>, %reduce_min3A, %reduce_min3A_75 [1, 2] : vector<1x8x1024xi32> to vector<1xi32>
      %reduce_min3A_77 = vector.shape_cast %reduce_min3A_76 : vector<1xi32> to vector<1x1x1xi32>
      %reduce_min3A_78 = vector.extract %reduce_min3A_77[0, 0, 0] : i32 from vector<1x1x1xi32>
      %eq3A_79 = vector.broadcast %reduce_min3A_78 : i32 to vector<8x1024xi32>
      %eq3A_80 = arith.cmpi eq, %add3A, %eq3A_79 : vector<8x1024xi32>
      %jit3A_81 = arith.constant 0.000000e+00 : f32
      %broadcast_in_dim3A_82 = vector.broadcast %jit3A_81 : f32 to vector<8x1024xf32>
      %select_n3A_83 = arith.select %eq3A_80, %get3A_5, %broadcast_in_dim3A_82 : vector<8x1024xi1>, vector<8x1024xf32>
      %reduce_sum3A = vector.shape_cast %select_n3A_83 : vector<8x1024xf32> to vector<1x8x1024xf32>
      %reduce_sum3A_84 = arith.constant dense<0.000000e+00> : vector<1xf32>
      %reduce_sum3A_85 = vector.multi_reduction <add>, %reduce_sum3A, %reduce_sum3A_84 [1, 2] : vector<1x8x1024xf32> to vector<1xf32>
      %reduce_sum3A_86 = vector.shape_cast %reduce_sum3A_85 : vector<1xf32> to vector<1x1x1xf32>
      %reduce_sum3A_87 = vector.extract %reduce_sum3A_86[0, 0, 0] : f32 from vector<1x1x1xf32>
      %jit3A_88 = arith.constant 0.000000e+00 : f32
      %broadcast_in_dim3A_89 = vector.broadcast %jit3A_88 : f32 to vector<8x1024xf32>
      %select_n3A_90 = arith.select %eq3A_80, %get3A_8, %broadcast_in_dim3A_89 : vector<8x1024xi1>, vector<8x1024xf32>
      %reduce_sum3A_91 = vector.shape_cast %select_n3A_90 : vector<8x1024xf32> to vector<1x8x1024xf32>
      %reduce_sum3A_92 = arith.constant dense<0.000000e+00> : vector<1xf32>
      %reduce_sum3A_93 = vector.multi_reduction <add>, %reduce_sum3A_91, %reduce_sum3A_92 [1, 2] : vector<1x8x1024xf32> to vector<1xf32>
      %reduce_sum3A_94 = vector.shape_cast %reduce_sum3A_93 : vector<1xf32> to vector<1x1x1xf32>
      %reduce_sum3A_95 = vector.extract %reduce_sum3A_94[0, 0, 0] : f32 from vector<1x1x1xf32>
      %jit3A_96 = arith.constant 0.000000e+00 : f32
      %broadcast_in_dim3A_97 = vector.broadcast %jit3A_96 : f32 to vector<8x1024xf32>
      %select_n3A_98 = arith.select %eq3A_80, %get3A_11, %broadcast_in_dim3A_97 : vector<8x1024xi1>, vector<8x1024xf32>
      %reduce_sum3A_99 = vector.shape_cast %select_n3A_98 : vector<8x1024xf32> to vector<1x8x1024xf32>
      %reduce_sum3A_100 = arith.constant dense<0.000000e+00> : vector<1xf32>
      %reduce_sum3A_101 = vector.multi_reduction <add>, %reduce_sum3A_99, %reduce_sum3A_100 [1, 2] : vector<1x8x1024xf32> to vector<1xf32>
      %reduce_sum3A_102 = vector.shape_cast %reduce_sum3A_101 : vector<1xf32> to vector<1x1x1xf32>
      %reduce_sum3A_103 = vector.extract %reduce_sum3A_102[0, 0, 0] : f32 from vector<1x1x1xf32>
      %eq3A_104 = arith.constant 0 : i32
      %eq3A_105 = vector.broadcast %eq3A_104 : i32 to vector<1x128xi32>
      %eq3A_106 = arith.cmpi eq, %iota3A_3, %eq3A_105 : vector<1x128xi32>
      %jit3A_107 = arith.constant 0.000000e+00 : f32
      %broadcast_in_dim3A_108 = vector.broadcast %reduce_sum3A_87 : f32 to vector<1x128xf32>
      %broadcast_in_dim3A_109 = vector.broadcast %jit3A_107 : f32 to vector<1x128xf32>
      %select_n3A_110 = arith.select %eq3A_106, %broadcast_in_dim3A_108, %broadcast_in_dim3A_109 : vector<1x128xi1>, vector<1x128xf32>
      %eq3A_111 = arith.constant 1 : i32
      %eq3A_112 = vector.broadcast %eq3A_111 : i32 to vector<1x128xi32>
      %eq3A_113 = arith.cmpi eq, %iota3A_3, %eq3A_112 : vector<1x128xi32>
      %jit3A_114 = arith.constant 0.000000e+00 : f32
      %broadcast_in_dim3A_115 = vector.broadcast %reduce_sum3A_95 : f32 to vector<1x128xf32>
      %broadcast_in_dim3A_116 = vector.broadcast %jit3A_114 : f32 to vector<1x128xf32>
      %select_n3A_117 = arith.select %eq3A_113, %broadcast_in_dim3A_115, %broadcast_in_dim3A_116 : vector<1x128xi1>, vector<1x128xf32>
      %add3A_118 = arith.addf %select_n3A_110, %select_n3A_117 : vector<1x128xf32>
      %eq3A_119 = arith.constant 2 : i32
      %eq3A_120 = vector.broadcast %eq3A_119 : i32 to vector<1x128xi32>
      %eq3A_121 = arith.cmpi eq, %iota3A_3, %eq3A_120 : vector<1x128xi32>
      %jit3A_122 = arith.constant 0.000000e+00 : f32
      %broadcast_in_dim3A_123 = vector.broadcast %reduce_sum3A_103 : f32 to vector<1x128xf32>
      %broadcast_in_dim3A_124 = vector.broadcast %jit3A_122 : f32 to vector<1x128xf32>
      %select_n3A_125 = arith.select %eq3A_121, %broadcast_in_dim3A_123, %broadcast_in_dim3A_124 : vector<1x128xi1>, vector<1x128xf32>
      %add3A_126 = arith.addf %add3A_118, %select_n3A_125 : vector<1x128xf32>
      %swap3A_127 = arith.index_cast %scan3A_52 : i32 to index
      %swap3A_128 = arith.constant 0 : index
      %swap3A_129 = vector.load %arg3[%swap3A_127, %swap3A_128] : memref<4096x128xf32, #tpu.memory_space<vmem>>, vector<1x128xf32>
      tpu.vector_store %arg3[%swap3A_127, %swap3A_128], %add3A_126 {strides = array<i32>} : memref<4096x128xf32, #tpu.memory_space<vmem>>, vector<1x128xf32>,
      scf.yield %min3A, %reduce_sum3A_87, %reduce_sum3A_95, %reduce_sum3A_103 : vector<8x1024xf32>, f32, f32, f32
    }
    %scan3A_51 = arith.constant 4095 : i32
    return
  }
}

module attributes {stable_mosaic.version = 14 : i64} {
  func.func @_fps_body(%arg0: memref<8x512xf32, #tpu.memory_space<vmem>>, %arg1: memref<8x512xf32, #tpu.memory_space<vmem>>, %arg2: memref<8x512xf32, #tpu.memory_space<vmem>>, %arg3: memref<1024x128xf32, #tpu.memory_space<vmem>>) attributes {dimension_semantics = [], scalar_prefetch = 0 : i64, scratch_operands = 0 : i64, tpu.core_type = #tpu.core_type<tc>} {
    %iota3A = tpu.iota {dimensions = array<i32: 0>} : vector<8x512xi32>
    %iota3A_0 = tpu.iota {dimensions = array<i32: 1>} : vector<8x512xi32>
    %mul3A = arith.constant 512 : i32
    %mul3A_1 = vector.broadcast %mul3A : i32 to vector<8x512xi32>
    %mul3A_2 = arith.muli %iota3A, %mul3A_1 : vector<8x512xi32>
    %add3A = arith.addi %mul3A_2, %iota3A_0 : vector<8x512xi32>
    %iota3A_3 = tpu.iota {dimensions = array<i32: 1>} : vector<1x128xi32>
    %get3A = arith.constant 0 : index
    %get3A_4 = arith.constant 0 : index
    %get3A_5 = vector.load %arg0[%get3A, %get3A_4] : memref<8x512xf32, #tpu.memory_space<vmem>>, vector<8x512xf32>
    %get3A_6 = arith.constant 0 : index
    %get3A_7 = arith.constant 0 : index
    %get3A_8 = vector.load %arg1[%get3A_6, %get3A_7] : memref<8x512xf32, #tpu.memory_space<vmem>>, vector<8x512xf32>
    %get3A_9 = arith.constant 0 : index
    %get3A_10 = arith.constant 0 : index
    %get3A_11 = vector.load %arg2[%get3A_9, %get3A_10] : memref<8x512xf32, #tpu.memory_space<vmem>>, vector<8x512xf32>
    %get3A_12 = arith.constant 0 : index
    %get3A_13 = arith.constant 0 : index
    %get3A_14 = vector.load %arg0[%get3A_12, %get3A_13] : memref<8x512xf32, #tpu.memory_space<vmem>>, vector<1x1xf32>
    %get3A_15 = vector.extract %get3A_14[0, 0] : f32 from vector<1x1xf32>
    %get3A_16 = arith.constant 0 : index
    %get3A_17 = arith.constant 0 : index
    %get3A_18 = vector.load %arg1[%get3A_16, %get3A_17] : memref<8x512xf32, #tpu.memory_space<vmem>>, vector<1x1xf32>
    %get3A_19 = vector.extract %get3A_18[0, 0] : f32 from vector<1x1xf32>
    %get3A_20 = arith.constant 0 : index
    %get3A_21 = arith.constant 0 : index
    %get3A_22 = vector.load %arg2[%get3A_20, %get3A_21] : memref<8x512xf32, #tpu.memory_space<vmem>>, vector<1x1xf32>
    %get3A_23 = vector.extract %get3A_22[0, 0] : f32 from vector<1x1xf32>
    %eq3A = arith.constant 0 : i32
    %eq3A_24 = vector.broadcast %eq3A : i32 to vector<1x128xi32>
    %eq3A_25 = arith.cmpi eq, %iota3A_3, %eq3A_24 : vector<1x128xi32>
    %jit3A = arith.constant 0.000000e+00 : f32
    %broadcast_in_dim3A = vector.broadcast %get3A_15 : f32 to vector<1x128xf32>
    %broadcast_in_dim3A_26 = vector.broadcast %jit3A : f32 to vector<1x128xf32>
    %select_n3A = arith.select %eq3A_25, %broadcast_in_dim3A, %broadcast_in_dim3A_26 : vector<1x128xi1>, vector<1x128xf32>
    %eq3A_27 = arith.constant 1 : i32
    %eq3A_28 = vector.broadcast %eq3A_27 : i32 to vector<1x128xi32>
    %eq3A_29 = arith.cmpi eq, %iota3A_3, %eq3A_28 : vector<1x128xi32>
    %jit3A_30 = arith.constant 0.000000e+00 : f32
    %broadcast_in_dim3A_31 = vector.broadcast %get3A_19 : f32 to vector<1x128xf32>
    %broadcast_in_dim3A_32 = vector.broadcast %jit3A_30 : f32 to vector<1x128xf32>
    %select_n3A_33 = arith.select %eq3A_29, %broadcast_in_dim3A_31, %broadcast_in_dim3A_32 : vector<1x128xi1>, vector<1x128xf32>
    %add3A_34 = arith.addf %select_n3A, %select_n3A_33 : vector<1x128xf32>
    %eq3A_35 = arith.constant 2 : i32
    %eq3A_36 = vector.broadcast %eq3A_35 : i32 to vector<1x128xi32>
    %eq3A_37 = arith.cmpi eq, %iota3A_3, %eq3A_36 : vector<1x128xi32>
    %jit3A_38 = arith.constant 0.000000e+00 : f32
    %broadcast_in_dim3A_39 = vector.broadcast %get3A_23 : f32 to vector<1x128xf32>
    %broadcast_in_dim3A_40 = vector.broadcast %jit3A_38 : f32 to vector<1x128xf32>
    %select_n3A_41 = arith.select %eq3A_37, %broadcast_in_dim3A_39, %broadcast_in_dim3A_40 : vector<1x128xi1>, vector<1x128xf32>
    %add3A_42 = arith.addf %add3A_34, %select_n3A_41 : vector<1x128xf32>
    %swap3A = arith.constant 0 : index
    %swap3A_43 = arith.constant 0 : index
    %swap3A_44 = vector.load %arg3[%swap3A, %swap3A_43] : memref<1024x128xf32, #tpu.memory_space<vmem>>, vector<1x128xf32>
    tpu.vector_store %arg3[%swap3A, %swap3A_43], %add3A_42 {strides = array<i32>} : memref<1024x128xf32, #tpu.memory_space<vmem>>, vector<1x128xf32>,
    %broadcast_in_dim3A_45 = arith.constant 0x7F800000 : f32
    %broadcast_in_dim3A_46 = vector.broadcast %broadcast_in_dim3A_45 : f32 to vector<8x512xf32>
    %scan3A = arith.constant 1 : i32
    %scan3A_47 = arith.constant 1023 : i32
    %scan3A_48 = arith.addi %scan3A, %scan3A_47 : i32
    %scan3A_49 = arith.constant 1 : i32
    %scan3A_50:4 = scf.for %scan3A_52 = %scan3A to %scan3A_48 step %scan3A_49 iter_args(%scan3A_53 = %broadcast_in_dim3A_46, %scan3A_54 = %get3A_15, %scan3A_55 = %get3A_19, %scan3A_56 = %get3A_23) -> (vector<8x512xf32>, f32, f32, f32)  : i32 {
      %sub3A = vector.broadcast %scan3A_54 : f32 to vector<8x512xf32>
      %sub3A_57 = arith.subf %get3A_5, %sub3A : vector<8x512xf32>
      %integer_pow3A = arith.mulf %sub3A_57, %sub3A_57 : vector<8x512xf32>
      %sub3A_58 = vector.broadcast %scan3A_55 : f32 to vector<8x512xf32>
      %sub3A_59 = arith.subf %get3A_8, %sub3A_58 : vector<8x512xf32>
      %integer_pow3A_60 = arith.mulf %sub3A_59, %sub3A_59 : vector<8x512xf32>
      %add3A_61 = arith.addf %integer_pow3A, %integer_pow3A_60 : vector<8x512xf32>
      %sub3A_62 = vector.broadcast %scan3A_56 : f32 to vector<8x512xf32>
      %sub3A_63 = arith.subf %get3A_11, %sub3A_62 : vector<8x512xf32>
      %integer_pow3A_64 = arith.mulf %sub3A_63, %sub3A_63 : vector<8x512xf32>
      %add3A_65 = arith.addf %add3A_61, %integer_pow3A_64 : vector<8x512xf32>
      %min3A = arith.minimumf %scan3A_53, %add3A_65 : vector<8x512xf32>
      %reduce_max3A = vector.shape_cast %min3A : vector<8x512xf32> to vector<1x8x512xf32>
      %reduce_max3A_66 = arith.constant dense<0xFF800000> : vector<1xf32>
      %reduce_max3A_67 = vector.multi_reduction <maximumf>, %reduce_max3A, %reduce_max3A_66 [1, 2] : vector<1x8x512xf32> to vector<1xf32>
      %reduce_max3A_68 = vector.shape_cast %reduce_max3A_67 : vector<1xf32> to vector<1x1x1xf32>
      %reduce_max3A_69 = vector.extract %reduce_max3A_68[0, 0, 0] : f32 from vector<1x1x1xf32>
      %eq3A_70 = vector.broadcast %reduce_max3A_69 : f32 to vector<8x512xf32>
      %eq3A_71 = arith.cmpf oeq, %min3A, %eq3A_70 : vector<8x512xf32>
      %jit3A_72 = arith.constant 1073741824 : i32
      %broadcast_in_dim3A_73 = vector.broadcast %jit3A_72 : i32 to vector<8x512xi32>
      %select_n3A_74 = arith.select %eq3A_71, %add3A, %broadcast_in_dim3A_73 : vector<8x512xi1>, vector<8x512xi32>
      %reduce_min3A = vector.shape_cast %select_n3A_74 : vector<8x512xi32> to vector<1x8x512xi32>
      %reduce_min3A_75 = arith.constant dense<2147483647> : vector<1xi32>
      %reduce_min3A_76 = vector.multi_reduction <minsi>, %reduce_min3A, %reduce_min3A_75 [1, 2] : vector<1x8x512xi32> to vector<1xi32>
      %reduce_min3A_77 = vector.shape_cast %reduce_min3A_76 : vector<1xi32> to vector<1x1x1xi32>
      %reduce_min3A_78 = vector.extract %reduce_min3A_77[0, 0, 0] : i32 from vector<1x1x1xi32>
      %eq3A_79 = vector.broadcast %reduce_min3A_78 : i32 to vector<8x512xi32>
      %eq3A_80 = arith.cmpi eq, %add3A, %eq3A_79 : vector<8x512xi32>
      %jit3A_81 = arith.constant 0.000000e+00 : f32
      %broadcast_in_dim3A_82 = vector.broadcast %jit3A_81 : f32 to vector<8x512xf32>
      %select_n3A_83 = arith.select %eq3A_80, %get3A_5, %broadcast_in_dim3A_82 : vector<8x512xi1>, vector<8x512xf32>
      %reduce_sum3A = vector.shape_cast %select_n3A_83 : vector<8x512xf32> to vector<1x8x512xf32>
      %reduce_sum3A_84 = arith.constant dense<0.000000e+00> : vector<1xf32>
      %reduce_sum3A_85 = vector.multi_reduction <add>, %reduce_sum3A, %reduce_sum3A_84 [1, 2] : vector<1x8x512xf32> to vector<1xf32>
      %reduce_sum3A_86 = vector.shape_cast %reduce_sum3A_85 : vector<1xf32> to vector<1x1x1xf32>
      %reduce_sum3A_87 = vector.extract %reduce_sum3A_86[0, 0, 0] : f32 from vector<1x1x1xf32>
      %jit3A_88 = arith.constant 0.000000e+00 : f32
      %broadcast_in_dim3A_89 = vector.broadcast %jit3A_88 : f32 to vector<8x512xf32>
      %select_n3A_90 = arith.select %eq3A_80, %get3A_8, %broadcast_in_dim3A_89 : vector<8x512xi1>, vector<8x512xf32>
      %reduce_sum3A_91 = vector.shape_cast %select_n3A_90 : vector<8x512xf32> to vector<1x8x512xf32>
      %reduce_sum3A_92 = arith.constant dense<0.000000e+00> : vector<1xf32>
      %reduce_sum3A_93 = vector.multi_reduction <add>, %reduce_sum3A_91, %reduce_sum3A_92 [1, 2] : vector<1x8x512xf32> to vector<1xf32>
      %reduce_sum3A_94 = vector.shape_cast %reduce_sum3A_93 : vector<1xf32> to vector<1x1x1xf32>
      %reduce_sum3A_95 = vector.extract %reduce_sum3A_94[0, 0, 0] : f32 from vector<1x1x1xf32>
      %jit3A_96 = arith.constant 0.000000e+00 : f32
      %broadcast_in_dim3A_97 = vector.broadcast %jit3A_96 : f32 to vector<8x512xf32>
      %select_n3A_98 = arith.select %eq3A_80, %get3A_11, %broadcast_in_dim3A_97 : vector<8x512xi1>, vector<8x512xf32>
      %reduce_sum3A_99 = vector.shape_cast %select_n3A_98 : vector<8x512xf32> to vector<1x8x512xf32>
      %reduce_sum3A_100 = arith.constant dense<0.000000e+00> : vector<1xf32>
      %reduce_sum3A_101 = vector.multi_reduction <add>, %reduce_sum3A_99, %reduce_sum3A_100 [1, 2] : vector<1x8x512xf32> to vector<1xf32>
      %reduce_sum3A_102 = vector.shape_cast %reduce_sum3A_101 : vector<1xf32> to vector<1x1x1xf32>
      %reduce_sum3A_103 = vector.extract %reduce_sum3A_102[0, 0, 0] : f32 from vector<1x1x1xf32>
      %eq3A_104 = arith.constant 0 : i32
      %eq3A_105 = vector.broadcast %eq3A_104 : i32 to vector<1x128xi32>
      %eq3A_106 = arith.cmpi eq, %iota3A_3, %eq3A_105 : vector<1x128xi32>
      %jit3A_107 = arith.constant 0.000000e+00 : f32
      %broadcast_in_dim3A_108 = vector.broadcast %reduce_sum3A_87 : f32 to vector<1x128xf32>
      %broadcast_in_dim3A_109 = vector.broadcast %jit3A_107 : f32 to vector<1x128xf32>
      %select_n3A_110 = arith.select %eq3A_106, %broadcast_in_dim3A_108, %broadcast_in_dim3A_109 : vector<1x128xi1>, vector<1x128xf32>
      %eq3A_111 = arith.constant 1 : i32
      %eq3A_112 = vector.broadcast %eq3A_111 : i32 to vector<1x128xi32>
      %eq3A_113 = arith.cmpi eq, %iota3A_3, %eq3A_112 : vector<1x128xi32>
      %jit3A_114 = arith.constant 0.000000e+00 : f32
      %broadcast_in_dim3A_115 = vector.broadcast %reduce_sum3A_95 : f32 to vector<1x128xf32>
      %broadcast_in_dim3A_116 = vector.broadcast %jit3A_114 : f32 to vector<1x128xf32>
      %select_n3A_117 = arith.select %eq3A_113, %broadcast_in_dim3A_115, %broadcast_in_dim3A_116 : vector<1x128xi1>, vector<1x128xf32>
      %add3A_118 = arith.addf %select_n3A_110, %select_n3A_117 : vector<1x128xf32>
      %eq3A_119 = arith.constant 2 : i32
      %eq3A_120 = vector.broadcast %eq3A_119 : i32 to vector<1x128xi32>
      %eq3A_121 = arith.cmpi eq, %iota3A_3, %eq3A_120 : vector<1x128xi32>
      %jit3A_122 = arith.constant 0.000000e+00 : f32
      %broadcast_in_dim3A_123 = vector.broadcast %reduce_sum3A_103 : f32 to vector<1x128xf32>
      %broadcast_in_dim3A_124 = vector.broadcast %jit3A_122 : f32 to vector<1x128xf32>
      %select_n3A_125 = arith.select %eq3A_121, %broadcast_in_dim3A_123, %broadcast_in_dim3A_124 : vector<1x128xi1>, vector<1x128xf32>
      %add3A_126 = arith.addf %add3A_118, %select_n3A_125 : vector<1x128xf32>
      %swap3A_127 = arith.index_cast %scan3A_52 : i32 to index
      %swap3A_128 = arith.constant 0 : index
      %swap3A_129 = vector.load %arg3[%swap3A_127, %swap3A_128] : memref<1024x128xf32, #tpu.memory_space<vmem>>, vector<1x128xf32>
      tpu.vector_store %arg3[%swap3A_127, %swap3A_128], %add3A_126 {strides = array<i32>} : memref<1024x128xf32, #tpu.memory_space<vmem>>, vector<1x128xf32>,
      scf.yield %min3A, %reduce_sum3A_87, %reduce_sum3A_95, %reduce_sum3A_103 : vector<8x512xf32>, f32, f32, f32
    }
    %scan3A_51 = arith.constant 1023 : i32
    return
  }
}

module attributes {stable_mosaic.version = 14 : i64} {
  func.func @_thresh_body(%arg0: i32, %arg1: memref<256x128xf32, #tpu.memory_space<vmem>>, %arg2: memref<1x4096xf32, #tpu.memory_space<vmem>>, %arg3: memref<1x4096xf32, #tpu.memory_space<vmem>>, %arg4: memref<1x4096xf32, #tpu.memory_space<vmem>>, %arg5: memref<256x4096xf32, #tpu.memory_space<vmem>>) attributes {dimension_semantics = [#tpu.dimension_semantics<arbitrary>], iteration_bounds = array<i64: 4>, scalar_prefetch = 0 : i64, scratch_operands = 0 : i64, tpu.core_type = #tpu.core_type<tc>, window_params = [{transform_indices = @transform_0, window_bounds = array<i64: 256, 128>}, {pipeline_mode = #tpu.pipeline_mode<synchronous>, transform_indices = @transform_1, window_bounds = array<i64: 1, 4096>}, {pipeline_mode = #tpu.pipeline_mode<synchronous>, transform_indices = @transform_2, window_bounds = array<i64: 1, 4096>}, {pipeline_mode = #tpu.pipeline_mode<synchronous>, transform_indices = @transform_3, window_bounds = array<i64: 1, 4096>}, {transform_indices = @transform_4, window_bounds = array<i64: 256, 4096>}]} {
    %get3A = arith.constant 0 : index
    %get3A_0 = arith.constant 0 : index
    %get3A_1 = vector.load %arg1[%get3A, %get3A_0] : memref<256x128xf32, #tpu.memory_space<vmem>>, vector<256x1xf32>
    %get3A_2 = arith.constant 0 : index
    %get3A_3 = arith.constant 1 : index
    %get3A_4 = vector.load %arg1[%get3A_2, %get3A_3] : memref<256x128xf32, #tpu.memory_space<vmem>>, vector<256x1xf32>
    %get3A_5 = arith.constant 0 : index
    %get3A_6 = arith.constant 2 : index
    %get3A_7 = vector.load %arg1[%get3A_5, %get3A_6] : memref<256x128xf32, #tpu.memory_space<vmem>>, vector<256x1xf32>
    %get3A_8 = arith.constant 0 : index
    %get3A_9 = arith.constant 0 : index
    %get3A_10 = vector.load %arg2[%get3A_8, %get3A_9] : memref<1x4096xf32, #tpu.memory_space<vmem>>, vector<1x4096xf32>
    %sub3A = vector.broadcast %get3A_1 : vector<256x1xf32> to vector<256x4096xf32>
    %sub3A_11 = vector.broadcast %get3A_10 : vector<1x4096xf32> to vector<256x4096xf32>
    %sub3A_12 = arith.subf %sub3A, %sub3A_11 : vector<256x4096xf32>
    %integer_pow3A = arith.mulf %sub3A_12, %sub3A_12 : vector<256x4096xf32>
    %get3A_13 = arith.constant 0 : index
    %get3A_14 = arith.constant 0 : index
    %get3A_15 = vector.load %arg3[%get3A_13, %get3A_14] : memref<1x4096xf32, #tpu.memory_space<vmem>>, vector<1x4096xf32>
    %sub3A_16 = vector.broadcast %get3A_4 : vector<256x1xf32> to vector<256x4096xf32>
    %sub3A_17 = vector.broadcast %get3A_15 : vector<1x4096xf32> to vector<256x4096xf32>
    %sub3A_18 = arith.subf %sub3A_16, %sub3A_17 : vector<256x4096xf32>
    %integer_pow3A_19 = arith.mulf %sub3A_18, %sub3A_18 : vector<256x4096xf32>
    %add3A = arith.addf %integer_pow3A, %integer_pow3A_19 : vector<256x4096xf32>
    %get3A_20 = arith.constant 0 : index
    %get3A_21 = arith.constant 0 : index
    %get3A_22 = vector.load %arg4[%get3A_20, %get3A_21] : memref<1x4096xf32, #tpu.memory_space<vmem>>, vector<1x4096xf32>
    %sub3A_23 = vector.broadcast %get3A_7 : vector<256x1xf32> to vector<256x4096xf32>
    %sub3A_24 = vector.broadcast %get3A_22 : vector<1x4096xf32> to vector<256x4096xf32>
    %sub3A_25 = arith.subf %sub3A_23, %sub3A_24 : vector<256x4096xf32>
    %integer_pow3A_26 = arith.mulf %sub3A_25, %sub3A_25 : vector<256x4096xf32>
    %add3A_27 = arith.addf %add3A, %integer_pow3A_26 : vector<256x4096xf32>
    %le3A = arith.constant 1.600000e-01 : f32
    %le3A_28 = vector.broadcast %le3A : f32 to vector<256x4096xf32>
    %le3A_29 = arith.cmpf ole, %add3A_27, %le3A_28 : vector<256x4096xf32>
    %jit3A = arith.constant 1.000000e+00 : f32
    %jit3A_30 = arith.constant 0.000000e+00 : f32
    %broadcast_in_dim3A = vector.broadcast %jit3A : f32 to vector<256x4096xf32>
    %broadcast_in_dim3A_31 = vector.broadcast %jit3A_30 : f32 to vector<256x4096xf32>
    %select_n3A = arith.select %le3A_29, %broadcast_in_dim3A, %broadcast_in_dim3A_31 : vector<256x4096xi1>, vector<256x4096xf32>
    %reduce_sum3A = arith.constant dense<0.000000e+00> : vector<256xf32>
    %reduce_sum3A_32 = vector.multi_reduction <add>, %select_n3A, %reduce_sum3A [1] : vector<256x4096xf32> to vector<256xf32>
    %broadcast_in_dim3A_33 = vector.shape_cast %reduce_sum3A_32 : vector<256xf32> to vector<256x1xf32>
    %broadcast_in_dim3A_34 = arith.constant 0 : i32
    %broadcast_in_dim3A_35 = vector.broadcast %broadcast_in_dim3A_34 : i32 to vector<256x1xi32>
    %broadcast_in_dim3A_36 = arith.constant 1042536202 : i32
    %broadcast_in_dim3A_37 = vector.broadcast %broadcast_in_dim3A_36 : i32 to vector<256x1xi32>
    %scan3A = arith.constant 0 : i32
    %scan3A_38 = arith.constant 31 : i32
    %scan3A_39 = arith.addi %scan3A, %scan3A_38 : i32
    %scan3A_40 = arith.constant 1 : i32
    %scan3A_41:2 = scf.for %scan3A_51 = %scan3A to %scan3A_39 step %scan3A_40 iter_args(%scan3A_52 = %broadcast_in_dim3A_35, %scan3A_53 = %broadcast_in_dim3A_37) -> (vector<256x1xi32>, vector<256x1xi32>)  : i32 {
      %add3A_54 = arith.addi %scan3A_52, %scan3A_53 : vector<256x1xi32>
      %div3A = arith.constant 2 : i32
      %div3A_55 = vector.broadcast %div3A : i32 to vector<256x1xi32>
      %div3A_56 = arith.divsi %add3A_54, %div3A_55 : vector<256x1xi32>
      %bitcast3A_57 = tpu.bitcast %div3A_56 : vector<256x1xi32> -> vector<256x1xf32>
      %le3A_58 = vector.broadcast %bitcast3A_57 : vector<256x1xf32> to vector<256x4096xf32>
      %le3A_59 = arith.cmpf ole, %add3A_27, %le3A_58 : vector<256x4096xf32>
      %jit3A_60 = arith.constant 1.000000e+00 : f32
      %jit3A_61 = arith.constant 0.000000e+00 : f32
      %broadcast_in_dim3A_62 = vector.broadcast %jit3A_60 : f32 to vector<256x4096xf32>
      %broadcast_in_dim3A_63 = vector.broadcast %jit3A_61 : f32 to vector<256x4096xf32>
      %select_n3A_64 = arith.select %le3A_59, %broadcast_in_dim3A_62, %broadcast_in_dim3A_63 : vector<256x4096xi1>, vector<256x4096xf32>
      %reduce_sum3A_65 = arith.constant dense<0.000000e+00> : vector<256xf32>
      %reduce_sum3A_66 = vector.multi_reduction <add>, %select_n3A_64, %reduce_sum3A_65 [1] : vector<256x4096xf32> to vector<256xf32>
      %broadcast_in_dim3A_67 = vector.shape_cast %reduce_sum3A_66 : vector<256xf32> to vector<256x1xf32>
      %ge3A_68 = arith.constant 6.400000e+01 : f32
      %ge3A_69 = vector.broadcast %ge3A_68 : f32 to vector<256x1xf32>
      %ge3A_70 = arith.cmpf oge, %broadcast_in_dim3A_67, %ge3A_69 : vector<256x1xf32>
      %select_n3A_71 = arith.select %ge3A_70, %div3A_56, %scan3A_53 : vector<256x1xi1>, vector<256x1xi32>
      %add3A_72 = arith.constant 1 : i32
      %add3A_73 = vector.broadcast %add3A_72 : i32 to vector<256x1xi32>
      %add3A_74 = arith.addi %div3A_56, %add3A_73 : vector<256x1xi32>
      %select_n3A_75 = arith.select %ge3A_70, %scan3A_52, %add3A_74 : vector<256x1xi1>, vector<256x1xi32>
      scf.yield %select_n3A_75, %select_n3A_71 : vector<256x1xi32>, vector<256x1xi32>
    }
    %bitcast3A = tpu.bitcast %scan3A_41#1 : vector<256x1xi32> -> vector<256x1xf32>
    %ge3A = arith.constant 6.400000e+01 : f32
    %ge3A_42 = vector.broadcast %ge3A : f32 to vector<256x1xf32>
    %ge3A_43 = arith.cmpf oge, %broadcast_in_dim3A_33, %ge3A_42 : vector<256x1xf32>
    %jit3A_44 = arith.constant 1.600000e-01 : f32
    %broadcast_in_dim3A_45 = vector.broadcast %jit3A_44 : f32 to vector<256x1xf32>
    %select_n3A_46 = arith.select %ge3A_43, %bitcast3A, %broadcast_in_dim3A_45 : vector<256x1xi1>, vector<256x1xf32>
    %sub3A_47 = vector.broadcast %select_n3A_46 : vector<256x1xf32> to vector<256x4096xf32>
    %sub3A_48 = arith.subf %add3A_27, %sub3A_47 : vector<256x4096xf32>
    %swap3A = arith.constant 0 : index
    %swap3A_49 = arith.constant 0 : index
    %swap3A_50 = vector.load %arg5[%swap3A, %swap3A_49] : memref<256x4096xf32, #tpu.memory_space<vmem>>, vector<256x4096xf32>
    tpu.vector_store %arg5[%swap3A, %swap3A_49], %sub3A_48 {strides = array<i32>} : memref<256x4096xf32, #tpu.memory_space<vmem>>, vector<256x4096xf32>,
    return
  }
  func.func @transform_0(%arg0: i32) -> (i32, i32) {
    %c0_i32 = arith.constant 0 : i32
    %c0_i32_0 = arith.constant 0 : i32
    return %arg0, %c0_i32 : i32, i32
  }
  func.func @transform_1(%arg0: i32) -> (i32, i32) {
    %c0_i32 = arith.constant 0 : i32
    %c0_i32_0 = arith.constant 0 : i32
    %c0_i32_1 = arith.constant 0 : i32
    return %c0_i32, %c0_i32_0 : i32, i32
  }
  func.func @transform_2(%arg0: i32) -> (i32, i32) {
    %c0_i32 = arith.constant 0 : i32
    %c0_i32_0 = arith.constant 0 : i32
    %c0_i32_1 = arith.constant 0 : i32
    return %c0_i32, %c0_i32_0 : i32, i32
  }
  func.func @transform_3(%arg0: i32) -> (i32, i32) {
    %c0_i32 = arith.constant 0 : i32
    %c0_i32_0 = arith.constant 0 : i32
    %c0_i32_1 = arith.constant 0 : i32
    return %c0_i32, %c0_i32_0 : i32, i32
  }
  func.func @transform_4(%arg0: i32) -> (i32, i32) {
    %c0_i32 = arith.constant 0 : i32
    %c0_i32_0 = arith.constant 0 : i32
    return %arg0, %c0_i32 : i32, i32
  }
}

module attributes {stable_mosaic.version = 14 : i64} {
  func.func @_gmlp_body(%arg0: i32, %arg1: memref<8192x16xf32, #tpu.memory_space<vmem>>, %arg2: memref<128x128xi32, #tpu.memory_space<vmem>>, %arg3: memref<128x16xf32, #tpu.memory_space<vmem>>, %arg4: memref<16x64xf32, #tpu.memory_space<vmem>>, %arg5: memref<64xf32, #tpu.memory_space<vmem>>, %arg6: memref<64x64xf32, #tpu.memory_space<vmem>>, %arg7: memref<64xf32, #tpu.memory_space<vmem>>, %arg8: memref<64x128xf32, #tpu.memory_space<vmem>>, %arg9: memref<128xf32, #tpu.memory_space<vmem>>, %arg10: memref<128x128xf32, #tpu.memory_space<vmem>>) attributes {dimension_semantics = [#tpu.dimension_semantics<arbitrary>], iteration_bounds = array<i64: 32>, scalar_prefetch = 0 : i64, scratch_operands = 0 : i64, tpu.core_type = #tpu.core_type<tc>, window_params = [{transform_indices = @transform_0, window_bounds = array<i64: 8192, 16>}, {transform_indices = @transform_1, window_bounds = array<i64: 128, 128>}, {transform_indices = @transform_2, window_bounds = array<i64: 128, 16>}, {pipeline_mode = #tpu.pipeline_mode<synchronous>, transform_indices = @transform_3, window_bounds = array<i64: 16, 64>}, {pipeline_mode = #tpu.pipeline_mode<synchronous>, transform_indices = @transform_4, window_bounds = array<i64: 64>}, {pipeline_mode = #tpu.pipeline_mode<synchronous>, transform_indices = @transform_5, window_bounds = array<i64: 64, 64>}, {pipeline_mode = #tpu.pipeline_mode<synchronous>, transform_indices = @transform_6, window_bounds = array<i64: 64>}, {pipeline_mode = #tpu.pipeline_mode<synchronous>, transform_indices = @transform_7, window_bounds = array<i64: 64, 128>}, {pipeline_mode = #tpu.pipeline_mode<synchronous>, transform_indices = @transform_8, window_bounds = array<i64: 128>}, {transform_indices = @transform_9, window_bounds = array<i64: 128, 128>}]} {
    %get3A = arith.constant 0 : index
    %get3A_0 = arith.constant 0 : index
    %get3A_1 = vector.load %arg1[%get3A, %get3A_0] : memref<8192x16xf32, #tpu.memory_space<vmem>>, vector<8192x16xf32>
    %reshape3A = vector.shape_cast %get3A_1 : vector<8192x16xf32> to vector<128x64x16xf32>
    %get3A_2 = arith.constant 0 : index
    %get3A_3 = arith.constant 0 : index
    %get3A_4 = vector.load %arg3[%get3A_2, %get3A_3] : memref<128x16xf32, #tpu.memory_space<vmem>>, vector<128x16xf32>
    %broadcast_in_dim3A = vector.shape_cast %get3A_4 : vector<128x16xf32> to vector<128x1x16xf32>
    %broadcast_in_dim3A_5 = vector.broadcast %broadcast_in_dim3A : vector<128x1x16xf32> to vector<128x64x16xf32>
    %sub3A = arith.subf %reshape3A, %broadcast_in_dim3A_5 : vector<128x64x16xf32>
    %reshape3A_6 = vector.shape_cast %sub3A : vector<128x64x16xf32> to vector<8192x16xf32>
    %get3A_7 = arith.constant 0 : index
    %get3A_8 = arith.constant 0 : index
    %get3A_9 = vector.load %arg4[%get3A_7, %get3A_8] : memref<16x64xf32, #tpu.memory_space<vmem>>, vector<16x64xf32>
    %dot_general3A = arith.constant dense<0.000000e+00> : vector<8192x64xf32>
    %dot_general3A_10 = tpu.matmul %reshape3A_6, %get3A_9, %dot_general3A {dimension_numbers = #tpu.dot_dimension_numbers<[1], [0], [0], [1], [0, 0, 1, 1], [], []>, transpose_lhs_hint = false} : vector<8192x16xf32>, vector<16x64xf32>, vector<8192x64xf32> -> vector<8192x64xf32>
    %get3A_11 = arith.constant 0 : index
    %get3A_12 = vector.load %arg5[%get3A_11] : memref<64xf32, #tpu.memory_space<vmem>>, vector<64xf32>
    %broadcast_in_dim3A_13 = vector.shape_cast %get3A_12 : vector<64xf32> to vector<1x64xf32>
    %add3A = vector.broadcast %broadcast_in_dim3A_13 : vector<1x64xf32> to vector<8192x64xf32>
    %add3A_14 = arith.addf %dot_general3A_10, %add3A : vector<8192x64xf32>
    %max3A = arith.constant 0.000000e+00 : f32
    %max3A_15 = vector.broadcast %max3A : f32 to vector<8192x64xf32>
    %max3A_16 = arith.maximumf %add3A_14, %max3A_15 : vector<8192x64xf32>
    %get3A_17 = arith.constant 0 : index
    %get3A_18 = arith.constant 0 : index
    %get3A_19 = vector.load %arg6[%get3A_17, %get3A_18] : memref<64x64xf32, #tpu.memory_space<vmem>>, vector<64x64xf32>
    %dot_general3A_20 = arith.constant dense<0.000000e+00> : vector<8192x64xf32>
    %dot_general3A_21 = tpu.matmul %max3A_16, %get3A_19, %dot_general3A_20 {dimension_numbers = #tpu.dot_dimension_numbers<[1], [0], [0], [1], [0, 0, 1, 1], [], []>, transpose_lhs_hint = false} : vector<8192x64xf32>, vector<64x64xf32>, vector<8192x64xf32> -> vector<8192x64xf32>
    %get3A_22 = arith.constant 0 : index
    %get3A_23 = vector.load %arg7[%get3A_22] : memref<64xf32, #tpu.memory_space<vmem>>, vector<64xf32>
    %broadcast_in_dim3A_24 = vector.shape_cast %get3A_23 : vector<64xf32> to vector<1x64xf32>
    %add3A_25 = vector.broadcast %broadcast_in_dim3A_24 : vector<1x64xf32> to vector<8192x64xf32>
    %add3A_26 = arith.addf %dot_general3A_21, %add3A_25 : vector<8192x64xf32>
    %max3A_27 = arith.constant 0.000000e+00 : f32
    %max3A_28 = vector.broadcast %max3A_27 : f32 to vector<8192x64xf32>
    %max3A_29 = arith.maximumf %add3A_26, %max3A_28 : vector<8192x64xf32>
    %get3A_30 = arith.constant 0 : index
    %get3A_31 = arith.constant 0 : index
    %get3A_32 = vector.load %arg8[%get3A_30, %get3A_31] : memref<64x128xf32, #tpu.memory_space<vmem>>, vector<64x128xf32>
    %dot_general3A_33 = arith.constant dense<0.000000e+00> : vector<8192x128xf32>
    %dot_general3A_34 = tpu.matmul %max3A_29, %get3A_32, %dot_general3A_33 {dimension_numbers = #tpu.dot_dimension_numbers<[1], [0], [0], [1], [0, 0, 1, 1], [], []>, transpose_lhs_hint = false} : vector<8192x64xf32>, vector<64x128xf32>, vector<8192x128xf32> -> vector<8192x128xf32>
    %get3A_35 = arith.constant 0 : index
    %get3A_36 = vector.load %arg9[%get3A_35] : memref<128xf32, #tpu.memory_space<vmem>>, vector<128xf32>
    %broadcast_in_dim3A_37 = vector.shape_cast %get3A_36 : vector<128xf32> to vector<1x128xf32>
    %add3A_38 = vector.broadcast %broadcast_in_dim3A_37 : vector<1x128xf32> to vector<8192x128xf32>
    %add3A_39 = arith.addf %dot_general3A_34, %add3A_38 : vector<8192x128xf32>
    %reshape3A_40 = vector.shape_cast %add3A_39 : vector<8192x128xf32> to vector<128x64x128xf32>
    %iota3A = tpu.iota {dimensions = array<i32: 1>} : vector<128x64x128xi32>
    %get3A_41 = arith.constant 0 : index
    %get3A_42 = arith.constant 0 : index
    %get3A_43 = vector.load %arg2[%get3A_41, %get3A_42] : memref<128x128xi32, #tpu.memory_space<vmem>>, vector<128x1xi32>
    %broadcast_in_dim3A_44 = vector.shape_cast %get3A_43 : vector<128x1xi32> to vector<128x1x1xi32>
    %broadcast_in_dim3A_45 = vector.broadcast %broadcast_in_dim3A_44 : vector<128x1x1xi32> to vector<128x64x128xi32>
    %lt3A = arith.cmpi slt, %iota3A, %broadcast_in_dim3A_45 : vector<128x64x128xi32>
    %jit3A = arith.constant 0xFF800000 : f32
    %broadcast_in_dim3A_46 = vector.broadcast %jit3A : f32 to vector<128x64x128xf32>
    %select_n3A = arith.select %lt3A, %reshape3A_40, %broadcast_in_dim3A_46 : vector<128x64x128xi1>, vector<128x64x128xf32>
    %reduce_max3A = arith.constant dense<0xFF800000> : vector<128x128xf32>
    %reduce_max3A_47 = vector.multi_reduction <maximumf>, %select_n3A, %reduce_max3A [1] : vector<128x64x128xf32> to vector<128x128xf32>
    %swap3A = arith.constant 0 : index
    %swap3A_48 = arith.constant 0 : index
    %swap3A_49 = vector.load %arg10[%swap3A, %swap3A_48] : memref<128x128xf32, #tpu.memory_space<vmem>>, vector<128x128xf32>
    tpu.vector_store %arg10[%swap3A, %swap3A_48], %reduce_max3A_47 {strides = array<i32>} : memref<128x128xf32, #tpu.memory_space<vmem>>, vector<128x128xf32>,
    return
  }
  func.func @transform_0(%arg0: i32) -> (i32, i32) {
    %c0_i32 = arith.constant 0 : i32
    %c0_i32_0 = arith.constant 0 : i32
    return %arg0, %c0_i32 : i32, i32
  }
  func.func @transform_1(%arg0: i32) -> (i32, i32) {
    %c0_i32 = arith.constant 0 : i32
    %c0_i32_0 = arith.constant 0 : i32
    return %arg0, %c0_i32 : i32, i32
  }
  func.func @transform_2(%arg0: i32) -> (i32, i32) {
    %c0_i32 = arith.constant 0 : i32
    %c0_i32_0 = arith.constant 0 : i32
    return %arg0, %c0_i32 : i32, i32
  }
  func.func @transform_3(%arg0: i32) -> (i32, i32) {
    %c0_i32 = arith.constant 0 : i32
    %c0_i32_0 = arith.constant 0 : i32
    %c0_i32_1 = arith.constant 0 : i32
    return %c0_i32, %c0_i32_0 : i32, i32
  }
  func.func @transform_4(%arg0: i32) -> i32 {
    %c0_i32 = arith.constant 0 : i32
    %c0_i32_0 = arith.constant 0 : i32
    return %c0_i32 : i32
  }
  func.func @transform_5(%arg0: i32) -> (i32, i32) {
    %c0_i32 = arith.constant 0 : i32
    %c0_i32_0 = arith.constant 0 : i32
    %c0_i32_1 = arith.constant 0 : i32
    return %c0_i32, %c0_i32_0 : i32, i32
  }
  func.func @transform_6(%arg0: i32) -> i32 {
    %c0_i32 = arith.constant 0 : i32
    %c0_i32_0 = arith.constant 0 : i32
    return %c0_i32 : i32
  }
  func.func @transform_7(%arg0: i32) -> (i32, i32) {
    %c0_i32 = arith.constant 0 : i32
    %c0_i32_0 = arith.constant 0 : i32
    %c0_i32_1 = arith.constant 0 : i32
    return %c0_i32, %c0_i32_0 : i32, i32
  }
  func.func @transform_8(%arg0: i32) -> i32 {
    %c0_i32 = arith.constant 0 : i32
    %c0_i32_0 = arith.constant 0 : i32
    return %c0_i32 : i32
  }
  func.func @transform_9(%arg0: i32) -> (i32, i32) {
    %c0_i32 = arith.constant 0 : i32
    %c0_i32_0 = arith.constant 0 : i32
    return %arg0, %c0_i32 : i32, i32
  }
}

module attributes {stable_mosaic.version = 14 : i64} {
  func.func @_gmlp_body(%arg0: i32, %arg1: memref<4096x144xf32, #tpu.memory_space<vmem>>, %arg2: memref<64x128xi32, #tpu.memory_space<vmem>>, %arg3: memref<64x144xf32, #tpu.memory_space<vmem>>, %arg4: memref<144x128xf32, #tpu.memory_space<vmem>>, %arg5: memref<128xf32, #tpu.memory_space<vmem>>, %arg6: memref<128x128xf32, #tpu.memory_space<vmem>>, %arg7: memref<128xf32, #tpu.memory_space<vmem>>, %arg8: memref<128x256xf32, #tpu.memory_space<vmem>>, %arg9: memref<256xf32, #tpu.memory_space<vmem>>, %arg10: memref<64x256xf32, #tpu.memory_space<vmem>>) attributes {dimension_semantics = [#tpu.dimension_semantics<arbitrary>], iteration_bounds = array<i64: 16>, scalar_prefetch = 0 : i64, scratch_operands = 0 : i64, tpu.core_type = #tpu.core_type<tc>, window_params = [{transform_indices = @transform_0, window_bounds = array<i64: 4096, 144>}, {transform_indices = @transform_1, window_bounds = array<i64: 64, 128>}, {transform_indices = @transform_2, window_bounds = array<i64: 64, 144>}, {pipeline_mode = #tpu.pipeline_mode<synchronous>, transform_indices = @transform_3, window_bounds = array<i64: 144, 128>}, {pipeline_mode = #tpu.pipeline_mode<synchronous>, transform_indices = @transform_4, window_bounds = array<i64: 128>}, {pipeline_mode = #tpu.pipeline_mode<synchronous>, transform_indices = @transform_5, window_bounds = array<i64: 128, 128>}, {pipeline_mode = #tpu.pipeline_mode<synchronous>, transform_indices = @transform_6, window_bounds = array<i64: 128>}, {pipeline_mode = #tpu.pipeline_mode<synchronous>, transform_indices = @transform_7, window_bounds = array<i64: 128, 256>}, {pipeline_mode = #tpu.pipeline_mode<synchronous>, transform_indices = @transform_8, window_bounds = array<i64: 256>}, {transform_indices = @transform_9, window_bounds = array<i64: 64, 256>}]} {
    %get3A = arith.constant 0 : index
    %get3A_0 = arith.constant 0 : index
    %get3A_1 = vector.load %arg1[%get3A, %get3A_0] : memref<4096x144xf32, #tpu.memory_space<vmem>>, vector<4096x144xf32>
    %reshape3A = vector.shape_cast %get3A_1 : vector<4096x144xf32> to vector<64x64x144xf32>
    %get3A_2 = arith.constant 0 : index
    %get3A_3 = arith.constant 0 : index
    %get3A_4 = vector.load %arg3[%get3A_2, %get3A_3] : memref<64x144xf32, #tpu.memory_space<vmem>>, vector<64x144xf32>
    %broadcast_in_dim3A = vector.shape_cast %get3A_4 : vector<64x144xf32> to vector<64x1x144xf32>
    %broadcast_in_dim3A_5 = vector.broadcast %broadcast_in_dim3A : vector<64x1x144xf32> to vector<64x64x144xf32>
    %sub3A = arith.subf %reshape3A, %broadcast_in_dim3A_5 : vector<64x64x144xf32>
    %reshape3A_6 = vector.shape_cast %sub3A : vector<64x64x144xf32> to vector<4096x144xf32>
    %get3A_7 = arith.constant 0 : index
    %get3A_8 = arith.constant 0 : index
    %get3A_9 = vector.load %arg4[%get3A_7, %get3A_8] : memref<144x128xf32, #tpu.memory_space<vmem>>, vector<144x128xf32>
    %dot_general3A = arith.constant dense<0.000000e+00> : vector<4096x128xf32>
    %dot_general3A_10 = tpu.matmul %reshape3A_6, %get3A_9, %dot_general3A {dimension_numbers = #tpu.dot_dimension_numbers<[1], [0], [0], [1], [0, 0, 1, 1], [], []>, transpose_lhs_hint = false} : vector<4096x144xf32>, vector<144x128xf32>, vector<4096x128xf32> -> vector<4096x128xf32>
    %get3A_11 = arith.constant 0 : index
    %get3A_12 = vector.load %arg5[%get3A_11] : memref<128xf32, #tpu.memory_space<vmem>>, vector<128xf32>
    %broadcast_in_dim3A_13 = vector.shape_cast %get3A_12 : vector<128xf32> to vector<1x128xf32>
    %add3A = vector.broadcast %broadcast_in_dim3A_13 : vector<1x128xf32> to vector<4096x128xf32>
    %add3A_14 = arith.addf %dot_general3A_10, %add3A : vector<4096x128xf32>
    %max3A = arith.constant 0.000000e+00 : f32
    %max3A_15 = vector.broadcast %max3A : f32 to vector<4096x128xf32>
    %max3A_16 = arith.maximumf %add3A_14, %max3A_15 : vector<4096x128xf32>
    %get3A_17 = arith.constant 0 : index
    %get3A_18 = arith.constant 0 : index
    %get3A_19 = vector.load %arg6[%get3A_17, %get3A_18] : memref<128x128xf32, #tpu.memory_space<vmem>>, vector<128x128xf32>
    %dot_general3A_20 = arith.constant dense<0.000000e+00> : vector<4096x128xf32>
    %dot_general3A_21 = tpu.matmul %max3A_16, %get3A_19, %dot_general3A_20 {dimension_numbers = #tpu.dot_dimension_numbers<[1], [0], [0], [1], [0, 0, 1, 1], [], []>, transpose_lhs_hint = false} : vector<4096x128xf32>, vector<128x128xf32>, vector<4096x128xf32> -> vector<4096x128xf32>
    %get3A_22 = arith.constant 0 : index
    %get3A_23 = vector.load %arg7[%get3A_22] : memref<128xf32, #tpu.memory_space<vmem>>, vector<128xf32>
    %broadcast_in_dim3A_24 = vector.shape_cast %get3A_23 : vector<128xf32> to vector<1x128xf32>
    %add3A_25 = vector.broadcast %broadcast_in_dim3A_24 : vector<1x128xf32> to vector<4096x128xf32>
    %add3A_26 = arith.addf %dot_general3A_21, %add3A_25 : vector<4096x128xf32>
    %max3A_27 = arith.constant 0.000000e+00 : f32
    %max3A_28 = vector.broadcast %max3A_27 : f32 to vector<4096x128xf32>
    %max3A_29 = arith.maximumf %add3A_26, %max3A_28 : vector<4096x128xf32>
    %get3A_30 = arith.constant 0 : index
    %get3A_31 = arith.constant 0 : index
    %get3A_32 = vector.load %arg8[%get3A_30, %get3A_31] : memref<128x256xf32, #tpu.memory_space<vmem>>, vector<128x256xf32>
    %dot_general3A_33 = arith.constant dense<0.000000e+00> : vector<4096x256xf32>
    %dot_general3A_34 = tpu.matmul %max3A_29, %get3A_32, %dot_general3A_33 {dimension_numbers = #tpu.dot_dimension_numbers<[1], [0], [0], [1], [0, 0, 1, 1], [], []>, transpose_lhs_hint = false} : vector<4096x128xf32>, vector<128x256xf32>, vector<4096x256xf32> -> vector<4096x256xf32>
    %get3A_35 = arith.constant 0 : index
    %get3A_36 = vector.load %arg9[%get3A_35] : memref<256xf32, #tpu.memory_space<vmem>>, vector<256xf32>
    %broadcast_in_dim3A_37 = vector.shape_cast %get3A_36 : vector<256xf32> to vector<1x256xf32>
    %add3A_38 = vector.broadcast %broadcast_in_dim3A_37 : vector<1x256xf32> to vector<4096x256xf32>
    %add3A_39 = arith.addf %dot_general3A_34, %add3A_38 : vector<4096x256xf32>
    %reshape3A_40 = vector.shape_cast %add3A_39 : vector<4096x256xf32> to vector<64x64x256xf32>
    %iota3A = tpu.iota {dimensions = array<i32: 1>} : vector<64x64x256xi32>
    %get3A_41 = arith.constant 0 : index
    %get3A_42 = arith.constant 0 : index
    %get3A_43 = vector.load %arg2[%get3A_41, %get3A_42] : memref<64x128xi32, #tpu.memory_space<vmem>>, vector<64x1xi32>
    %broadcast_in_dim3A_44 = vector.shape_cast %get3A_43 : vector<64x1xi32> to vector<64x1x1xi32>
    %broadcast_in_dim3A_45 = vector.broadcast %broadcast_in_dim3A_44 : vector<64x1x1xi32> to vector<64x64x256xi32>
    %lt3A = arith.cmpi slt, %iota3A, %broadcast_in_dim3A_45 : vector<64x64x256xi32>
    %jit3A = arith.constant 0xFF800000 : f32
    %broadcast_in_dim3A_46 = vector.broadcast %jit3A : f32 to vector<64x64x256xf32>
    %select_n3A = arith.select %lt3A, %reshape3A_40, %broadcast_in_dim3A_46 : vector<64x64x256xi1>, vector<64x64x256xf32>
    %reduce_max3A = arith.constant dense<0xFF800000> : vector<64x256xf32>
    %reduce_max3A_47 = vector.multi_reduction <maximumf>, %select_n3A, %reduce_max3A [1] : vector<64x64x256xf32> to vector<64x256xf32>
    %swap3A = arith.constant 0 : index
    %swap3A_48 = arith.constant 0 : index
    %swap3A_49 = vector.load %arg10[%swap3A, %swap3A_48] : memref<64x256xf32, #tpu.memory_space<vmem>>, vector<64x256xf32>
    tpu.vector_store %arg10[%swap3A, %swap3A_48], %reduce_max3A_47 {strides = array<i32>} : memref<64x256xf32, #tpu.memory_space<vmem>>, vector<64x256xf32>,
    return
  }
  func.func @transform_0(%arg0: i32) -> (i32, i32) {
    %c0_i32 = arith.constant 0 : i32
    %c0_i32_0 = arith.constant 0 : i32
    return %arg0, %c0_i32 : i32, i32
  }
  func.func @transform_1(%arg0: i32) -> (i32, i32) {
    %c0_i32 = arith.constant 0 : i32
    %c0_i32_0 = arith.constant 0 : i32
    return %arg0, %c0_i32 : i32, i32
  }
  func.func @transform_2(%arg0: i32) -> (i32, i32) {
    %c0_i32 = arith.constant 0 : i32
    %c0_i32_0 = arith.constant 0 : i32
    return %arg0, %c0_i32 : i32, i32
  }
  func.func @transform_3(%arg0: i32) -> (i32, i32) {
    %c0_i32 = arith.constant 0 : i32
    %c0_i32_0 = arith.constant 0 : i32
    %c0_i32_1 = arith.constant 0 : i32
    return %c0_i32, %c0_i32_0 : i32, i32
  }
  func.func @transform_4(%arg0: i32) -> i32 {
    %c0_i32 = arith.constant 0 : i32
    %c0_i32_0 = arith.constant 0 : i32
    return %c0_i32 : i32
  }
  func.func @transform_5(%arg0: i32) -> (i32, i32) {
    %c0_i32 = arith.constant 0 : i32
    %c0_i32_0 = arith.constant 0 : i32
    %c0_i32_1 = arith.constant 0 : i32
    return %c0_i32, %c0_i32_0 : i32, i32
  }
  func.func @transform_6(%arg0: i32) -> i32 {
    %c0_i32 = arith.constant 0 : i32
    %c0_i32_0 = arith.constant 0 : i32
    return %c0_i32 : i32
  }
  func.func @transform_7(%arg0: i32) -> (i32, i32) {
    %c0_i32 = arith.constant 0 : i32
    %c0_i32_0 = arith.constant 0 : i32
    %c0_i32_1 = arith.constant 0 : i32
    return %c0_i32, %c0_i32_0 : i32, i32
  }
  func.func @transform_8(%arg0: i32) -> i32 {
    %c0_i32 = arith.constant 0 : i32
    %c0_i32_0 = arith.constant 0 : i32
    return %c0_i32 : i32
  }
  func.func @transform_9(%arg0: i32) -> (i32, i32) {
    %c0_i32 = arith.constant 0 : i32
    %c0_i32_0 = arith.constant 0 : i32
    return %arg0, %c0_i32 : i32, i32
  }
}

module attributes {stable_mosaic.version = 14 : i64} {
  func.func @_sa3fp3_body(%arg0: i32, %arg1: memref<1024x259xf32, #tpu.memory_space<vmem>>, %arg2: memref<1024x256xf32, #tpu.memory_space<vmem>>, %arg3: memref<259x256xf32, #tpu.memory_space<vmem>>, %arg4: memref<256xf32, #tpu.memory_space<vmem>>, %arg5: memref<256x512xf32, #tpu.memory_space<vmem>>, %arg6: memref<512xf32, #tpu.memory_space<vmem>>, %arg7: memref<512x1024xf32, #tpu.memory_space<vmem>>, %arg8: memref<1024xf32, #tpu.memory_space<vmem>>, %arg9: memref<1024x256xf32, #tpu.memory_space<vmem>>, %arg10: memref<256x256xf32, #tpu.memory_space<vmem>>, %arg11: memref<256xf32, #tpu.memory_space<vmem>>, %arg12: memref<256x256xf32, #tpu.memory_space<vmem>>, %arg13: memref<256xf32, #tpu.memory_space<vmem>>, %arg14: memref<1024x256xf32, #tpu.memory_space<vmem>>) attributes {dimension_semantics = [#tpu.dimension_semantics<arbitrary>], iteration_bounds = array<i64: 1>, scalar_prefetch = 0 : i64, scratch_operands = 0 : i64, tpu.core_type = #tpu.core_type<tc>, window_params = [{pipeline_mode = #tpu.pipeline_mode<synchronous>, transform_indices = @transform_0, window_bounds = array<i64: 1024, 259>}, {pipeline_mode = #tpu.pipeline_mode<synchronous>, transform_indices = @transform_1, window_bounds = array<i64: 1024, 256>}, {pipeline_mode = #tpu.pipeline_mode<synchronous>, transform_indices = @transform_2, window_bounds = array<i64: 259, 256>}, {pipeline_mode = #tpu.pipeline_mode<synchronous>, transform_indices = @transform_3, window_bounds = array<i64: 256>}, {pipeline_mode = #tpu.pipeline_mode<synchronous>, transform_indices = @transform_4, window_bounds = array<i64: 256, 512>}, {pipeline_mode = #tpu.pipeline_mode<synchronous>, transform_indices = @transform_5, window_bounds = array<i64: 512>}, {pipeline_mode = #tpu.pipeline_mode<synchronous>, transform_indices = @transform_6, window_bounds = array<i64: 512, 1024>}, {pipeline_mode = #tpu.pipeline_mode<synchronous>, transform_indices = @transform_7, window_bounds = array<i64: 1024>}, {pipeline_mode = #tpu.pipeline_mode<synchronous>, transform_indices = @transform_8, window_bounds = array<i64: 1024, 256>}, {pipeline_mode = #tpu.pipeline_mode<synchronous>, transform_indices = @transform_9, window_bounds = array<i64: 256, 256>}, {pipeline_mode = #tpu.pipeline_mode<synchronous>, transform_indices = @transform_10, window_bounds = array<i64: 256>}, {pipeline_mode = #tpu.pipeline_mode<synchronous>, transform_indices = @transform_11, window_bounds = array<i64: 256, 256>}, {pipeline_mode = #tpu.pipeline_mode<synchronous>, transform_indices = @transform_12, window_bounds = array<i64: 256>}, {pipeline_mode = #tpu.pipeline_mode<synchronous>, transform_indices = @transform_13, window_bounds = array<i64: 1024, 256>}]} {
    %get3A = arith.constant 0 : index
    %get3A_0 = arith.constant 0 : index
    %get3A_1 = vector.load %arg1[%get3A, %get3A_0] : memref<1024x259xf32, #tpu.memory_space<vmem>>, vector<1024x259xf32>
    %get3A_2 = arith.constant 0 : index
    %get3A_3 = arith.constant 0 : index
    %get3A_4 = vector.load %arg3[%get3A_2, %get3A_3] : memref<259x256xf32, #tpu.memory_space<vmem>>, vector<259x256xf32>
    %dot_general3A = arith.constant dense<0.000000e+00> : vector<1024x256xf32>
    %dot_general3A_5 = tpu.matmul %get3A_1, %get3A_4, %dot_general3A {dimension_numbers = #tpu.dot_dimension_numbers<[1], [0], [0], [1], [0, 0, 1, 1], [], []>, transpose_lhs_hint = false} : vector<1024x259xf32>, vector<259x256xf32>, vector<1024x256xf32> -> vector<1024x256xf32>
    %get3A_6 = arith.constant 0 : index
    %get3A_7 = vector.load %arg4[%get3A_6] : memref<256xf32, #tpu.memory_space<vmem>>, vector<256xf32>
    %broadcast_in_dim3A = vector.shape_cast %get3A_7 : vector<256xf32> to vector<1x256xf32>
    %add3A = vector.broadcast %broadcast_in_dim3A : vector<1x256xf32> to vector<1024x256xf32>
    %add3A_8 = arith.addf %dot_general3A_5, %add3A : vector<1024x256xf32>
    %max3A = arith.constant 0.000000e+00 : f32
    %max3A_9 = vector.broadcast %max3A : f32 to vector<1024x256xf32>
    %max3A_10 = arith.maximumf %add3A_8, %max3A_9 : vector<1024x256xf32>
    %get3A_11 = arith.constant 0 : index
    %get3A_12 = arith.constant 0 : index
    %get3A_13 = vector.load %arg5[%get3A_11, %get3A_12] : memref<256x512xf32, #tpu.memory_space<vmem>>, vector<256x512xf32>
    %dot_general3A_14 = arith.constant dense<0.000000e+00> : vector<1024x512xf32>
    %dot_general3A_15 = tpu.matmul %max3A_10, %get3A_13, %dot_general3A_14 {dimension_numbers = #tpu.dot_dimension_numbers<[1], [0], [0], [1], [0, 0, 1, 1], [], []>, transpose_lhs_hint = false} : vector<1024x256xf32>, vector<256x512xf32>, vector<1024x512xf32> -> vector<1024x512xf32>
    %get3A_16 = arith.constant 0 : index
    %get3A_17 = vector.load %arg6[%get3A_16] : memref<512xf32, #tpu.memory_space<vmem>>, vector<512xf32>
    %broadcast_in_dim3A_18 = vector.shape_cast %get3A_17 : vector<512xf32> to vector<1x512xf32>
    %add3A_19 = vector.broadcast %broadcast_in_dim3A_18 : vector<1x512xf32> to vector<1024x512xf32>
    %add3A_20 = arith.addf %dot_general3A_15, %add3A_19 : vector<1024x512xf32>
    %max3A_21 = arith.constant 0.000000e+00 : f32
    %max3A_22 = vector.broadcast %max3A_21 : f32 to vector<1024x512xf32>
    %max3A_23 = arith.maximumf %add3A_20, %max3A_22 : vector<1024x512xf32>
    %get3A_24 = arith.constant 0 : index
    %get3A_25 = arith.constant 0 : index
    %get3A_26 = vector.load %arg7[%get3A_24, %get3A_25] : memref<512x1024xf32, #tpu.memory_space<vmem>>, vector<512x1024xf32>
    %dot_general3A_27 = arith.constant dense<0.000000e+00> : vector<1024x1024xf32>
    %dot_general3A_28 = tpu.matmul %max3A_23, %get3A_26, %dot_general3A_27 {dimension_numbers = #tpu.dot_dimension_numbers<[1], [0], [0], [1], [0, 0, 1, 1], [], []>, transpose_lhs_hint = false} : vector<1024x512xf32>, vector<512x1024xf32>, vector<1024x1024xf32> -> vector<1024x1024xf32>
    %get3A_29 = arith.constant 0 : index
    %get3A_30 = vector.load %arg8[%get3A_29] : memref<1024xf32, #tpu.memory_space<vmem>>, vector<1024xf32>
    %broadcast_in_dim3A_31 = vector.shape_cast %get3A_30 : vector<1024xf32> to vector<1x1024xf32>
    %add3A_32 = vector.broadcast %broadcast_in_dim3A_31 : vector<1x1024xf32> to vector<1024x1024xf32>
    %add3A_33 = arith.addf %dot_general3A_28, %add3A_32 : vector<1024x1024xf32>
    %reduce_max3A = arith.constant dense<0xFF800000> : vector<1024xf32>
    %reduce_max3A_34 = vector.multi_reduction <maximumf>, %add3A_33, %reduce_max3A [0] : vector<1024x1024xf32> to vector<1024xf32>
    %broadcast_in_dim3A_35 = vector.shape_cast %reduce_max3A_34 : vector<1024xf32> to vector<1x1024xf32>
    %get3A_36 = arith.constant 0 : index
    %get3A_37 = arith.constant 0 : index
    %get3A_38 = vector.load %arg9[%get3A_36, %get3A_37] : memref<1024x256xf32, #tpu.memory_space<vmem>>, vector<1024x256xf32>
    %dot_general3A_39 = arith.constant dense<0.000000e+00> : vector<1x256xf32>
    %dot_general3A_40 = tpu.matmul %broadcast_in_dim3A_35, %get3A_38, %dot_general3A_39 {dimension_numbers = #tpu.dot_dimension_numbers<[1], [0], [0], [1], [0, 0, 1, 1], [], []>, transpose_lhs_hint = false} : vector<1x1024xf32>, vector<1024x256xf32>, vector<1x256xf32> -> vector<1x256xf32>
    %get3A_41 = arith.constant 0 : index
    %get3A_42 = arith.constant 0 : index
    %get3A_43 = vector.load %arg2[%get3A_41, %get3A_42] : memref<1024x256xf32, #tpu.memory_space<vmem>>, vector<1024x256xf32>
    %get3A_44 = arith.constant 0 : index
    %get3A_45 = arith.constant 0 : index
    %get3A_46 = vector.load %arg10[%get3A_44, %get3A_45] : memref<256x256xf32, #tpu.memory_space<vmem>>, vector<256x256xf32>
    %dot_general3A_47 = arith.constant dense<0.000000e+00> : vector<1024x256xf32>
    %dot_general3A_48 = tpu.matmul %get3A_43, %get3A_46, %dot_general3A_47 {dimension_numbers = #tpu.dot_dimension_numbers<[1], [0], [0], [1], [0, 0, 1, 1], [], []>, transpose_lhs_hint = false} : vector<1024x256xf32>, vector<256x256xf32>, vector<1024x256xf32> -> vector<1024x256xf32>
    %add3A_49 = vector.broadcast %dot_general3A_40 : vector<1x256xf32> to vector<1024x256xf32>
    %add3A_50 = arith.addf %dot_general3A_48, %add3A_49 : vector<1024x256xf32>
    %get3A_51 = arith.constant 0 : index
    %get3A_52 = vector.load %arg11[%get3A_51] : memref<256xf32, #tpu.memory_space<vmem>>, vector<256xf32>
    %broadcast_in_dim3A_53 = vector.shape_cast %get3A_52 : vector<256xf32> to vector<1x256xf32>
    %add3A_54 = vector.broadcast %broadcast_in_dim3A_53 : vector<1x256xf32> to vector<1024x256xf32>
    %add3A_55 = arith.addf %add3A_50, %add3A_54 : vector<1024x256xf32>
    %max3A_56 = arith.constant 0.000000e+00 : f32
    %max3A_57 = vector.broadcast %max3A_56 : f32 to vector<1024x256xf32>
    %max3A_58 = arith.maximumf %add3A_55, %max3A_57 : vector<1024x256xf32>
    %get3A_59 = arith.constant 0 : index
    %get3A_60 = arith.constant 0 : index
    %get3A_61 = vector.load %arg12[%get3A_59, %get3A_60] : memref<256x256xf32, #tpu.memory_space<vmem>>, vector<256x256xf32>
    %dot_general3A_62 = arith.constant dense<0.000000e+00> : vector<1024x256xf32>
    %dot_general3A_63 = tpu.matmul %max3A_58, %get3A_61, %dot_general3A_62 {dimension_numbers = #tpu.dot_dimension_numbers<[1], [0], [0], [1], [0, 0, 1, 1], [], []>, transpose_lhs_hint = false} : vector<1024x256xf32>, vector<256x256xf32>, vector<1024x256xf32> -> vector<1024x256xf32>
    %get3A_64 = arith.constant 0 : index
    %get3A_65 = vector.load %arg13[%get3A_64] : memref<256xf32, #tpu.memory_space<vmem>>, vector<256xf32>
    %broadcast_in_dim3A_66 = vector.shape_cast %get3A_65 : vector<256xf32> to vector<1x256xf32>
    %add3A_67 = vector.broadcast %broadcast_in_dim3A_66 : vector<1x256xf32> to vector<1024x256xf32>
    %add3A_68 = arith.addf %dot_general3A_63, %add3A_67 : vector<1024x256xf32>
    %swap3A = arith.constant 0 : index
    %swap3A_69 = arith.constant 0 : index
    %swap3A_70 = vector.load %arg14[%swap3A, %swap3A_69] : memref<1024x256xf32, #tpu.memory_space<vmem>>, vector<1024x256xf32>
    tpu.vector_store %arg14[%swap3A, %swap3A_69], %add3A_68 {strides = array<i32>} : memref<1024x256xf32, #tpu.memory_space<vmem>>, vector<1024x256xf32>,
    return
  }
  func.func @transform_0(%arg0: i32) -> (i32, i32) {
    %c0_i32 = arith.constant 0 : i32
    %c0_i32_0 = arith.constant 0 : i32
    %c0_i32_1 = arith.constant 0 : i32
    return %c0_i32, %c0_i32_0 : i32, i32
  }
  func.func @transform_1(%arg0: i32) -> (i32, i32) {
    %c0_i32 = arith.constant 0 : i32
    %c0_i32_0 = arith.constant 0 : i32
    %c0_i32_1 = arith.constant 0 : i32
    return %c0_i32, %c0_i32_0 : i32, i32
  }
  func.func @transform_2(%arg0: i32) -> (i32, i32) {
    %c0_i32 = arith.constant 0 : i32
    %c0_i32_0 = arith.constant 0 : i32
    %c0_i32_1 = arith.constant 0 : i32
    return %c0_i32, %c0_i32_0 : i32, i32
  }
  func.func @transform_3(%arg0: i32) -> i32 {
    %c0_i32 = arith.constant 0 : i32
    %c0_i32_0 = arith.constant 0 : i32
    return %c0_i32 : i32
  }
  func.func @transform_4(%arg0: i32) -> (i32, i32) {
    %c0_i32 = arith.constant 0 : i32
    %c0_i32_0 = arith.constant 0 : i32
    %c0_i32_1 = arith.constant 0 : i32
    return %c0_i32, %c0_i32_0 : i32, i32
  }
  func.func @transform_5(%arg0: i32) -> i32 {
    %c0_i32 = arith.constant 0 : i32
    %c0_i32_0 = arith.constant 0 : i32
    return %c0_i32 : i32
  }
  func.func @transform_6(%arg0: i32) -> (i32, i32) {
    %c0_i32 = arith.constant 0 : i32
    %c0_i32_0 = arith.constant 0 : i32
    %c0_i32_1 = arith.constant 0 : i32
    return %c0_i32, %c0_i32_0 : i32, i32
  }
  func.func @transform_7(%arg0: i32) -> i32 {
    %c0_i32 = arith.constant 0 : i32
    %c0_i32_0 = arith.constant 0 : i32
    return %c0_i32 : i32
  }
  func.func @transform_8(%arg0: i32) -> (i32, i32) {
    %c0_i32 = arith.constant 0 : i32
    %c0_i32_0 = arith.constant 0 : i32
    %c0_i32_1 = arith.constant 0 : i32
    return %c0_i32, %c0_i32_0 : i32, i32
  }
  func.func @transform_9(%arg0: i32) -> (i32, i32) {
    %c0_i32 = arith.constant 0 : i32
    %c0_i32_0 = arith.constant 0 : i32
    %c0_i32_1 = arith.constant 0 : i32
    return %c0_i32, %c0_i32_0 : i32, i32
  }
  func.func @transform_10(%arg0: i32) -> i32 {
    %c0_i32 = arith.constant 0 : i32
    %c0_i32_0 = arith.constant 0 : i32
    return %c0_i32 : i32
  }
  func.func @transform_11(%arg0: i32) -> (i32, i32) {
    %c0_i32 = arith.constant 0 : i32
    %c0_i32_0 = arith.constant 0 : i32
    %c0_i32_1 = arith.constant 0 : i32
    return %c0_i32, %c0_i32_0 : i32, i32
  }
  func.func @transform_12(%arg0: i32) -> i32 {
    %c0_i32 = arith.constant 0 : i32
    %c0_i32_0 = arith.constant 0 : i32
    return %c0_i32 : i32
  }
  func.func @transform_13(%arg0: i32) -> (i32, i32) {
    %c0_i32 = arith.constant 0 : i32
    %c0_i32_0 = arith.constant 0 : i32
    %c0_i32_1 = arith.constant 0 : i32
    return %c0_i32, %c0_i32_0 : i32, i32
  }
}

module attributes {stable_mosaic.version = 14 : i64} {
  func.func @_fp2_body(%arg0: i32, %arg1: memref<1024x128xf32, #tpu.memory_space<vmem>>, %arg2: memref<1x1024xf32, #tpu.memory_space<vmem>>, %arg3: memref<1x1024xf32, #tpu.memory_space<vmem>>, %arg4: memref<1x1024xf32, #tpu.memory_space<vmem>>, %arg5: memref<1024x256xf32, #tpu.memory_space<vmem>>, %arg6: memref<1024x128xf32, #tpu.memory_space<vmem>>, %arg7: memref<256x256xf32, #tpu.memory_space<vmem>>, %arg8: memref<128x256xf32, #tpu.memory_space<vmem>>, %arg9: memref<256xf32, #tpu.memory_space<vmem>>, %arg10: memref<256x128xf32, #tpu.memory_space<vmem>>, %arg11: memref<128xf32, #tpu.memory_space<vmem>>, %arg12: memref<1024x128xf32, #tpu.memory_space<vmem>>) attributes {dimension_semantics = [#tpu.dimension_semantics<arbitrary>], iteration_bounds = array<i64: 4>, scalar_prefetch = 0 : i64, scratch_operands = 0 : i64, tpu.core_type = #tpu.core_type<tc>, window_params = [{transform_indices = @transform_0, window_bounds = array<i64: 1024, 128>}, {pipeline_mode = #tpu.pipeline_mode<synchronous>, transform_indices = @transform_1, window_bounds = array<i64: 1, 1024>}, {pipeline_mode = #tpu.pipeline_mode<synchronous>, transform_indices = @transform_2, window_bounds = array<i64: 1, 1024>}, {pipeline_mode = #tpu.pipeline_mode<synchronous>, transform_indices = @transform_3, window_bounds = array<i64: 1, 1024>}, {pipeline_mode = #tpu.pipeline_mode<synchronous>, transform_indices = @transform_4, window_bounds = array<i64: 1024, 256>}, {transform_indices = @transform_5, window_bounds = array<i64: 1024, 128>}, {pipeline_mode = #tpu.pipeline_mode<synchronous>, transform_indices = @transform_6, window_bounds = array<i64: 256, 256>}, {pipeline_mode = #tpu.pipeline_mode<synchronous>, transform_indices = @transform_7, window_bounds = array<i64: 128, 256>}, {pipeline_mode = #tpu.pipeline_mode<synchronous>, transform_indices = @transform_8, window_bounds = array<i64: 256>}, {pipeline_mode = #tpu.pipeline_mode<synchronous>, transform_indices = @transform_9, window_bounds = array<i64: 256, 128>}, {pipeline_mode = #tpu.pipeline_mode<synchronous>, transform_indices = @transform_10, window_bounds = array<i64: 128>}, {transform_indices = @transform_11, window_bounds = array<i64: 1024, 128>}]} {
    %get3A = arith.constant 0 : index
    %get3A_0 = arith.constant 0 : index
    %get3A_1 = vector.load %arg1[%get3A, %get3A_0] : memref<1024x128xf32, #tpu.memory_space<vmem>>, vector<1024x1xf32>
    %get3A_2 = arith.constant 0 : index
    %get3A_3 = arith.constant 1 : index
    %get3A_4 = vector.load %arg1[%get3A_2, %get3A_3] : memref<1024x128xf32, #tpu.memory_space<vmem>>, vector<1024x1xf32>
    %get3A_5 = arith.constant 0 : index
    %get3A_6 = arith.constant 2 : index
    %get3A_7 = vector.load %arg1[%get3A_5, %get3A_6] : memref<1024x128xf32, #tpu.memory_space<vmem>>, vector<1024x1xf32>
    %get3A_8 = arith.constant 0 : index
    %get3A_9 = arith.constant 0 : index
    %get3A_10 = vector.load %arg2[%get3A_8, %get3A_9] : memref<1x1024xf32, #tpu.memory_space<vmem>>, vector<1x1024xf32>
    %sub3A = vector.broadcast %get3A_1 : vector<1024x1xf32> to vector<1024x1024xf32>
    %sub3A_11 = vector.broadcast %get3A_10 : vector<1x1024xf32> to vector<1024x1024xf32>
    %sub3A_12 = arith.subf %sub3A, %sub3A_11 : vector<1024x1024xf32>
    %integer_pow3A = arith.mulf %sub3A_12, %sub3A_12 : vector<1024x1024xf32>
    %get3A_13 = arith.constant 0 : index
    %get3A_14 = arith.constant 0 : index
    %get3A_15 = vector.load %arg3[%get3A_13, %get3A_14] : memref<1x1024xf32, #tpu.memory_space<vmem>>, vector<1x1024xf32>
    %sub3A_16 = vector.broadcast %get3A_4 : vector<1024x1xf32> to vector<1024x1024xf32>
    %sub3A_17 = vector.broadcast %get3A_15 : vector<1x1024xf32> to vector<1024x1024xf32>
    %sub3A_18 = arith.subf %sub3A_16, %sub3A_17 : vector<1024x1024xf32>
    %integer_pow3A_19 = arith.mulf %sub3A_18, %sub3A_18 : vector<1024x1024xf32>
    %add3A = arith.addf %integer_pow3A, %integer_pow3A_19 : vector<1024x1024xf32>
    %get3A_20 = arith.constant 0 : index
    %get3A_21 = arith.constant 0 : index
    %get3A_22 = vector.load %arg4[%get3A_20, %get3A_21] : memref<1x1024xf32, #tpu.memory_space<vmem>>, vector<1x1024xf32>
    %sub3A_23 = vector.broadcast %get3A_7 : vector<1024x1xf32> to vector<1024x1024xf32>
    %sub3A_24 = vector.broadcast %get3A_22 : vector<1x1024xf32> to vector<1024x1024xf32>
    %sub3A_25 = arith.subf %sub3A_23, %sub3A_24 : vector<1024x1024xf32>
    %integer_pow3A_26 = arith.mulf %sub3A_25, %sub3A_25 : vector<1024x1024xf32>
    %add3A_27 = arith.addf %add3A, %integer_pow3A_26 : vector<1024x1024xf32>
    %iota3A = tpu.iota {dimensions = array<i32: 1>} : vector<1024x1024xi32>
    %broadcast_in_dim3A = arith.constant 0.000000e+00 : f32
    %broadcast_in_dim3A_28 = vector.broadcast %broadcast_in_dim3A : f32 to vector<1024x1024xf32>
    %broadcast_in_dim3A_29 = arith.constant 0.000000e+00 : f32
    %broadcast_in_dim3A_30 = vector.broadcast %broadcast_in_dim3A_29 : f32 to vector<1024x1xf32>
    %reduce_min3A = arith.constant dense<0x7F800000> : vector<1024xf32>
    %reduce_min3A_31 = vector.multi_reduction <minimumf>, %add3A_27, %reduce_min3A [1] : vector<1024x1024xf32> to vector<1024xf32>
    %broadcast_in_dim3A_32 = vector.shape_cast %reduce_min3A_31 : vector<1024xf32> to vector<1024x1xf32>
    %eq3A = vector.broadcast %broadcast_in_dim3A_32 : vector<1024x1xf32> to vector<1024x1024xf32>
    %eq3A_33 = arith.cmpf oeq, %add3A_27, %eq3A : vector<1024x1024xf32>
    %jit3A = arith.constant 1073741824 : i32
    %broadcast_in_dim3A_34 = vector.broadcast %jit3A : i32 to vector<1024x1024xi32>
    %select_n3A = arith.select %eq3A_33, %iota3A, %broadcast_in_dim3A_34 : vector<1024x1024xi1>, vector<1024x1024xi32>
    %reduce_min3A_35 = arith.constant dense<2147483647> : vector<1024xi32>
    %reduce_min3A_36 = vector.multi_reduction <minsi>, %select_n3A, %reduce_min3A_35 [1] : vector<1024x1024xi32> to vector<1024xi32>
    %broadcast_in_dim3A_37 = vector.shape_cast %reduce_min3A_36 : vector<1024xi32> to vector<1024x1xi32>
    %eq3A_38 = vector.broadcast %broadcast_in_dim3A_37 : vector<1024x1xi32> to vector<1024x1024xi32>
    %eq3A_39 = arith.cmpi eq, %iota3A, %eq3A_38 : vector<1024x1024xi32>
    %max3A = arith.constant 1.000000e-16 : f32
    %max3A_40 = vector.broadcast %max3A : f32 to vector<1024x1xf32>
    %max3A_41 = arith.maximumf %broadcast_in_dim3A_32, %max3A_40 : vector<1024x1xf32>
    %div3A = arith.constant 1.000000e+00 : f32
    %div3A_42 = vector.broadcast %div3A : f32 to vector<1024x1xf32>
    %div3A_43 = arith.divf %div3A_42, %max3A_41 : vector<1024x1xf32>
    %jit3A_44 = arith.constant 0.000000e+00 : f32
    %broadcast_in_dim3A_45 = vector.shape_cast %div3A_43 : vector<1024x1xf32> to vector<1024x1xf32>
    %broadcast_in_dim3A_46 = vector.broadcast %broadcast_in_dim3A_45 : vector<1024x1xf32> to vector<1024x1024xf32>
    %broadcast_in_dim3A_47 = vector.broadcast %jit3A_44 : f32 to vector<1024x1024xf32>
    %select_n3A_48 = arith.select %eq3A_39, %broadcast_in_dim3A_46, %broadcast_in_dim3A_47 : vector<1024x1024xi1>, vector<1024x1024xf32>
    %add3A_49 = arith.addf %broadcast_in_dim3A_28, %select_n3A_48 : vector<1024x1024xf32>
    %add3A_50 = arith.addf %broadcast_in_dim3A_30, %div3A_43 : vector<1024x1xf32>
    %jit3A_51 = arith.constant 0x7F800000 : f32
    %broadcast_in_dim3A_52 = vector.broadcast %jit3A_51 : f32 to vector<1024x1024xf32>
    %select_n3A_53 = arith.select %eq3A_39, %broadcast_in_dim3A_52, %add3A_27 : vector<1024x1024xi1>, vector<1024x1024xf32>
    %reduce_min3A_54 = arith.constant dense<0x7F800000> : vector<1024xf32>
    %reduce_min3A_55 = vector.multi_reduction <minimumf>, %select_n3A_53, %reduce_min3A_54 [1] : vector<1024x1024xf32> to vector<1024xf32>
    %broadcast_in_dim3A_56 = vector.shape_cast %reduce_min3A_55 : vector<1024xf32> to vector<1024x1xf32>
    %eq3A_57 = vector.broadcast %broadcast_in_dim3A_56 : vector<1024x1xf32> to vector<1024x1024xf32>
    %eq3A_58 = arith.cmpf oeq, %select_n3A_53, %eq3A_57 : vector<1024x1024xf32>
    %jit3A_59 = arith.constant 1073741824 : i32
    %broadcast_in_dim3A_60 = vector.broadcast %jit3A_59 : i32 to vector<1024x1024xi32>
    %select_n3A_61 = arith.select %eq3A_58, %iota3A, %broadcast_in_dim3A_60 : vector<1024x1024xi1>, vector<1024x1024xi32>
    %reduce_min3A_62 = arith.constant dense<2147483647> : vector<1024xi32>
    %reduce_min3A_63 = vector.multi_reduction <minsi>, %select_n3A_61, %reduce_min3A_62 [1] : vector<1024x1024xi32> to vector<1024xi32>
    %broadcast_in_dim3A_64 = vector.shape_cast %reduce_min3A_63 : vector<1024xi32> to vector<1024x1xi32>
    %eq3A_65 = vector.broadcast %broadcast_in_dim3A_64 : vector<1024x1xi32> to vector<1024x1024xi32>
    %eq3A_66 = arith.cmpi eq, %iota3A, %eq3A_65 : vector<1024x1024xi32>
    %max3A_67 = arith.constant 1.000000e-16 : f32
    %max3A_68 = vector.broadcast %max3A_67 : f32 to vector<1024x1xf32>
    %max3A_69 = arith.maximumf %broadcast_in_dim3A_56, %max3A_68 : vector<1024x1xf32>
    %div3A_70 = arith.constant 1.000000e+00 : f32
    %div3A_71 = vector.broadcast %div3A_70 : f32 to vector<1024x1xf32>
    %div3A_72 = arith.divf %div3A_71, %max3A_69 : vector<1024x1xf32>
    %jit3A_73 = arith.constant 0.000000e+00 : f32
    %broadcast_in_dim3A_74 = vector.shape_cast %div3A_72 : vector<1024x1xf32> to vector<1024x1xf32>
    %broadcast_in_dim3A_75 = vector.broadcast %broadcast_in_dim3A_74 : vector<1024x1xf32> to vector<1024x1024xf32>
    %broadcast_in_dim3A_76 = vector.broadcast %jit3A_73 : f32 to vector<1024x1024xf32>
    %select_n3A_77 = arith.select %eq3A_66, %broadcast_in_dim3A_75, %broadcast_in_dim3A_76 : vector<1024x1024xi1>, vector<1024x1024xf32>
    %add3A_78 = arith.addf %add3A_49, %select_n3A_77 : vector<1024x1024xf32>
    %add3A_79 = arith.addf %add3A_50, %div3A_72 : vector<1024x1xf32>
    %jit3A_80 = arith.constant 0x7F800000 : f32
    %broadcast_in_dim3A_81 = vector.broadcast %jit3A_80 : f32 to vector<1024x1024xf32>
    %select_n3A_82 = arith.select %eq3A_66, %broadcast_in_dim3A_81, %select_n3A_53 : vector<1024x1024xi1>, vector<1024x1024xf32>
    %reduce_min3A_83 = arith.constant dense<0x7F800000> : vector<1024xf32>
    %reduce_min3A_84 = vector.multi_reduction <minimumf>, %select_n3A_82, %reduce_min3A_83 [1] : vector<1024x1024xf32> to vector<1024xf32>
    %broadcast_in_dim3A_85 = vector.shape_cast %reduce_min3A_84 : vector<1024xf32> to vector<1024x1xf32>
    %eq3A_86 = vector.broadcast %broadcast_in_dim3A_85 : vector<1024x1xf32> to vector<1024x1024xf32>
    %eq3A_87 = arith.cmpf oeq, %select_n3A_82, %eq3A_86 : vector<1024x1024xf32>
    %jit3A_88 = arith.constant 1073741824 : i32
    %broadcast_in_dim3A_89 = vector.broadcast %jit3A_88 : i32 to vector<1024x1024xi32>
    %select_n3A_90 = arith.select %eq3A_87, %iota3A, %broadcast_in_dim3A_89 : vector<1024x1024xi1>, vector<1024x1024xi32>
    %reduce_min3A_91 = arith.constant dense<2147483647> : vector<1024xi32>
    %reduce_min3A_92 = vector.multi_reduction <minsi>, %select_n3A_90, %reduce_min3A_91 [1] : vector<1024x1024xi32> to vector<1024xi32>
    %broadcast_in_dim3A_93 = vector.shape_cast %reduce_min3A_92 : vector<1024xi32> to vector<1024x1xi32>
    %eq3A_94 = vector.broadcast %broadcast_in_dim3A_93 : vector<1024x1xi32> to vector<1024x1024xi32>
    %eq3A_95 = arith.cmpi eq, %iota3A, %eq3A_94 : vector<1024x1024xi32>
    %max3A_96 = arith.constant 1.000000e-16 : f32
    %max3A_97 = vector.broadcast %max3A_96 : f32 to vector<1024x1xf32>
    %max3A_98 = arith.maximumf %broadcast_in_dim3A_85, %max3A_97 : vector<1024x1xf32>
    %div3A_99 = arith.constant 1.000000e+00 : f32
    %div3A_100 = vector.broadcast %div3A_99 : f32 to vector<1024x1xf32>
    %div3A_101 = arith.divf %div3A_100, %max3A_98 : vector<1024x1xf32>
    %jit3A_102 = arith.constant 0.000000e+00 : f32
    %broadcast_in_dim3A_103 = vector.shape_cast %div3A_101 : vector<1024x1xf32> to vector<1024x1xf32>
    %broadcast_in_dim3A_104 = vector.broadcast %broadcast_in_dim3A_103 : vector<1024x1xf32> to vector<1024x1024xf32>
    %broadcast_in_dim3A_105 = vector.broadcast %jit3A_102 : f32 to vector<1024x1024xf32>
    %select_n3A_106 = arith.select %eq3A_95, %broadcast_in_dim3A_104, %broadcast_in_dim3A_105 : vector<1024x1024xi1>, vector<1024x1024xf32>
    %add3A_107 = arith.addf %add3A_78, %select_n3A_106 : vector<1024x1024xf32>
    %add3A_108 = arith.addf %add3A_79, %div3A_101 : vector<1024x1xf32>
    %get3A_109 = arith.constant 0 : index
    %get3A_110 = arith.constant 0 : index
    %get3A_111 = vector.load %arg5[%get3A_109, %get3A_110] : memref<1024x256xf32, #tpu.memory_space<vmem>>, vector<1024x256xf32>
    %dot_general3A = arith.constant dense<0.000000e+00> : vector<1024x256xf32>
    %dot_general3A_112 = tpu.matmul %add3A_107, %get3A_111, %dot_general3A {dimension_numbers = #tpu.dot_dimension_numbers<[1], [0], [0], [1], [0, 0, 1, 1], [], []>, precision = #tpu.contract_precision<fp32>, transpose_lhs_hint = false} : vector<1024x1024xf32>, vector<1024x256xf32>, vector<1024x256xf32> -> vector<1024x256xf32>
    %div3A_113 = vector.broadcast %add3A_108 : vector<1024x1xf32> to vector<1024x256xf32>
    %div3A_114 = arith.divf %dot_general3A_112, %div3A_113 : vector<1024x256xf32>
    %get3A_115 = arith.constant 0 : index
    %get3A_116 = arith.constant 0 : index
    %get3A_117 = vector.load %arg7[%get3A_115, %get3A_116] : memref<256x256xf32, #tpu.memory_space<vmem>>, vector<256x256xf32>
    %dot_general3A_118 = arith.constant dense<0.000000e+00> : vector<1024x256xf32>
    %dot_general3A_119 = tpu.matmul %div3A_114, %get3A_117, %dot_general3A_118 {dimension_numbers = #tpu.dot_dimension_numbers<[1], [0], [0], [1], [0, 0, 1, 1], [], []>, transpose_lhs_hint = false} : vector<1024x256xf32>, vector<256x256xf32>, vector<1024x256xf32> -> vector<1024x256xf32>
    %get3A_120 = arith.constant 0 : index
    %get3A_121 = arith.constant 0 : index
    %get3A_122 = vector.load %arg6[%get3A_120, %get3A_121] : memref<1024x128xf32, #tpu.memory_space<vmem>>, vector<1024x128xf32>
    %get3A_123 = arith.constant 0 : index
    %get3A_124 = arith.constant 0 : index
    %get3A_125 = vector.load %arg8[%get3A_123, %get3A_124] : memref<128x256xf32, #tpu.memory_space<vmem>>, vector<128x256xf32>
    %dot_general3A_126 = arith.constant dense<0.000000e+00> : vector<1024x256xf32>
    %dot_general3A_127 = tpu.matmul %get3A_122, %get3A_125, %dot_general3A_126 {dimension_numbers = #tpu.dot_dimension_numbers<[1], [0], [0], [1], [0, 0, 1, 1], [], []>, transpose_lhs_hint = false} : vector<1024x128xf32>, vector<128x256xf32>, vector<1024x256xf32> -> vector<1024x256xf32>
    %add3A_128 = arith.addf %dot_general3A_119, %dot_general3A_127 : vector<1024x256xf32>
    %get3A_129 = arith.constant 0 : index
    %get3A_130 = vector.load %arg9[%get3A_129] : memref<256xf32, #tpu.memory_space<vmem>>, vector<256xf32>
    %broadcast_in_dim3A_131 = vector.shape_cast %get3A_130 : vector<256xf32> to vector<1x256xf32>
    %add3A_132 = vector.broadcast %broadcast_in_dim3A_131 : vector<1x256xf32> to vector<1024x256xf32>
    %add3A_133 = arith.addf %add3A_128, %add3A_132 : vector<1024x256xf32>
    %max3A_134 = arith.constant 0.000000e+00 : f32
    %max3A_135 = vector.broadcast %max3A_134 : f32 to vector<1024x256xf32>
    %max3A_136 = arith.maximumf %add3A_133, %max3A_135 : vector<1024x256xf32>
    %get3A_137 = arith.constant 0 : index
    %get3A_138 = arith.constant 0 : index
    %get3A_139 = vector.load %arg10[%get3A_137, %get3A_138] : memref<256x128xf32, #tpu.memory_space<vmem>>, vector<256x128xf32>
    %dot_general3A_140 = arith.constant dense<0.000000e+00> : vector<1024x128xf32>
    %dot_general3A_141 = tpu.matmul %max3A_136, %get3A_139, %dot_general3A_140 {dimension_numbers = #tpu.dot_dimension_numbers<[1], [0], [0], [1], [0, 0, 1, 1], [], []>, transpose_lhs_hint = false} : vector<1024x256xf32>, vector<256x128xf32>, vector<1024x128xf32> -> vector<1024x128xf32>
    %get3A_142 = arith.constant 0 : index
    %get3A_143 = vector.load %arg11[%get3A_142] : memref<128xf32, #tpu.memory_space<vmem>>, vector<128xf32>
    %broadcast_in_dim3A_144 = vector.shape_cast %get3A_143 : vector<128xf32> to vector<1x128xf32>
    %add3A_145 = vector.broadcast %broadcast_in_dim3A_144 : vector<1x128xf32> to vector<1024x128xf32>
    %add3A_146 = arith.addf %dot_general3A_141, %add3A_145 : vector<1024x128xf32>
    %swap3A = arith.constant 0 : index
    %swap3A_147 = arith.constant 0 : index
    %swap3A_148 = vector.load %arg12[%swap3A, %swap3A_147] : memref<1024x128xf32, #tpu.memory_space<vmem>>, vector<1024x128xf32>
    tpu.vector_store %arg12[%swap3A, %swap3A_147], %add3A_146 {strides = array<i32>} : memref<1024x128xf32, #tpu.memory_space<vmem>>, vector<1024x128xf32>,
    return
  }
  func.func @transform_0(%arg0: i32) -> (i32, i32) {
    %c0_i32 = arith.constant 0 : i32
    %c0_i32_0 = arith.constant 0 : i32
    return %arg0, %c0_i32 : i32, i32
  }
  func.func @transform_1(%arg0: i32) -> (i32, i32) {
    %c0_i32 = arith.constant 0 : i32
    %c0_i32_0 = arith.constant 0 : i32
    %c0_i32_1 = arith.constant 0 : i32
    return %c0_i32, %c0_i32_0 : i32, i32
  }
  func.func @transform_2(%arg0: i32) -> (i32, i32) {
    %c0_i32 = arith.constant 0 : i32
    %c0_i32_0 = arith.constant 0 : i32
    %c0_i32_1 = arith.constant 0 : i32
    return %c0_i32, %c0_i32_0 : i32, i32
  }
  func.func @transform_3(%arg0: i32) -> (i32, i32) {
    %c0_i32 = arith.constant 0 : i32
    %c0_i32_0 = arith.constant 0 : i32
    %c0_i32_1 = arith.constant 0 : i32
    return %c0_i32, %c0_i32_0 : i32, i32
  }
  func.func @transform_4(%arg0: i32) -> (i32, i32) {
    %c0_i32 = arith.constant 0 : i32
    %c0_i32_0 = arith.constant 0 : i32
    %c0_i32_1 = arith.constant 0 : i32
    return %c0_i32, %c0_i32_0 : i32, i32
  }
  func.func @transform_5(%arg0: i32) -> (i32, i32) {
    %c0_i32 = arith.constant 0 : i32
    %c0_i32_0 = arith.constant 0 : i32
    return %arg0, %c0_i32 : i32, i32
  }
  func.func @transform_6(%arg0: i32) -> (i32, i32) {
    %c0_i32 = arith.constant 0 : i32
    %c0_i32_0 = arith.constant 0 : i32
    %c0_i32_1 = arith.constant 0 : i32
    return %c0_i32, %c0_i32_0 : i32, i32
  }
  func.func @transform_7(%arg0: i32) -> (i32, i32) {
    %c0_i32 = arith.constant 0 : i32
    %c0_i32_0 = arith.constant 0 : i32
    %c0_i32_1 = arith.constant 0 : i32
    return %c0_i32, %c0_i32_0 : i32, i32
  }
  func.func @transform_8(%arg0: i32) -> i32 {
    %c0_i32 = arith.constant 0 : i32
    %c0_i32_0 = arith.constant 0 : i32
    return %c0_i32 : i32
  }
  func.func @transform_9(%arg0: i32) -> (i32, i32) {
    %c0_i32 = arith.constant 0 : i32
    %c0_i32_0 = arith.constant 0 : i32
    %c0_i32_1 = arith.constant 0 : i32
    return %c0_i32, %c0_i32_0 : i32, i32
  }
  func.func @transform_10(%arg0: i32) -> i32 {
    %c0_i32 = arith.constant 0 : i32
    %c0_i32_0 = arith.constant 0 : i32
    return %c0_i32 : i32
  }
  func.func @transform_11(%arg0: i32) -> (i32, i32) {
    %c0_i32 = arith.constant 0 : i32
    %c0_i32_0 = arith.constant 0 : i32
    return %arg0, %c0_i32 : i32, i32
  }
}

module attributes {stable_mosaic.version = 14 : i64} {
  func.func @_fp1h_body(%arg0: i32, %arg1: memref<1024x3xf32, #tpu.memory_space<vmem>>, %arg2: memref<1x4096xf32, #tpu.memory_space<vmem>>, %arg3: memref<1x4096xf32, #tpu.memory_space<vmem>>, %arg4: memref<1x4096xf32, #tpu.memory_space<vmem>>, %arg5: memref<4096x128xf32, #tpu.memory_space<vmem>>, %arg6: memref<1024x3xf32, #tpu.memory_space<vmem>>, %arg7: memref<128x128xf32, #tpu.memory_space<vmem>>, %arg8: memref<3x128xf32, #tpu.memory_space<vmem>>, %arg9: memref<128xf32, #tpu.memory_space<vmem>>, %arg10: memref<128x128xf32, #tpu.memory_space<vmem>>, %arg11: memref<128xf32, #tpu.memory_space<vmem>>, %arg12: memref<128x128xf32, #tpu.memory_space<vmem>>, %arg13: memref<128xf32, #tpu.memory_space<vmem>>, %arg14: memref<128x128xf32, #tpu.memory_space<vmem>>, %arg15: memref<128xf32, #tpu.memory_space<vmem>>, %arg16: memref<128x128xf32, #tpu.memory_space<vmem>>, %arg17: memref<128xf32, #tpu.memory_space<vmem>>, %arg18: memref<128x8xf32, #tpu.memory_space<vmem>>, %arg19: memref<8xf32, #tpu.memory_space<vmem>>, %arg20: memref<1024x8xf32, #tpu.memory_space<vmem>>) attributes {dimension_semantics = [#tpu.dimension_semantics<arbitrary>], iteration_bounds = array<i64: 8>, scalar_prefetch = 0 : i64, scratch_operands = 0 : i64, tpu.core_type = #tpu.core_type<tc>, window_params = [{transform_indices = @transform_0, window_bounds = array<i64: 1024, 3>}, {pipeline_mode = #tpu.pipeline_mode<synchronous>, transform_indices = @transform_1, window_bounds = array<i64: 1, 4096>}, {pipeline_mode = #tpu.pipeline_mode<synchronous>, transform_indices = @transform_2, window_bounds = array<i64: 1, 4096>}, {pipeline_mode = #tpu.pipeline_mode<synchronous>, transform_indices = @transform_3, window_bounds = array<i64: 1, 4096>}, {pipeline_mode = #tpu.pipeline_mode<synchronous>, transform_indices = @transform_4, window_bounds = array<i64: 4096, 128>}, {transform_indices = @transform_5, window_bounds = array<i64: 1024, 3>}, {pipeline_mode = #tpu.pipeline_mode<synchronous>, transform_indices = @transform_6, window_bounds = array<i64: 128, 128>}, {pipeline_mode = #tpu.pipeline_mode<synchronous>, transform_indices = @transform_7, window_bounds = array<i64: 3, 128>}, {pipeline_mode = #tpu.pipeline_mode<synchronous>, transform_indices = @transform_8, window_bounds = array<i64: 128>}, {pipeline_mode = #tpu.pipeline_mode<synchronous>, transform_indices = @transform_9, window_bounds = array<i64: 128, 128>}, {pipeline_mode = #tpu.pipeline_mode<synchronous>, transform_indices = @transform_10, window_bounds = array<i64: 128>}, {pipeline_mode = #tpu.pipeline_mode<synchronous>, transform_indices = @transform_11, window_bounds = array<i64: 128, 128>}, {pipeline_mode = #tpu.pipeline_mode<synchronous>, transform_indices = @transform_12, window_bounds = array<i64: 128>}, {pipeline_mode = #tpu.pipeline_mode<synchronous>, transform_indices = @transform_13, window_bounds = array<i64: 128, 128>}, {pipeline_mode = #tpu.pipeline_mode<synchronous>, transform_indices = @transform_14, window_bounds = array<i64: 128>}, {pipeline_mode = #tpu.pipeline_mode<synchronous>, transform_indices = @transform_15, window_bounds = array<i64: 128, 128>}, {pipeline_mode = #tpu.pipeline_mode<synchronous>, transform_indices = @transform_16, window_bounds = array<i64: 128>}, {pipeline_mode = #tpu.pipeline_mode<synchronous>, transform_indices = @transform_17, window_bounds = array<i64: 128, 8>}, {pipeline_mode = #tpu.pipeline_mode<synchronous>, transform_indices = @transform_18, window_bounds = array<i64: 8>}, {transform_indices = @transform_19, window_bounds = array<i64: 1024, 8>}]} {
    %get3A = arith.constant 0 : index
    %get3A_0 = arith.constant 0 : index
    %get3A_1 = vector.load %arg1[%get3A, %get3A_0] : memref<1024x3xf32, #tpu.memory_space<vmem>>, vector<1024x1xf32>
    %get3A_2 = arith.constant 0 : index
    %get3A_3 = arith.constant 1 : index
    %get3A_4 = vector.load %arg1[%get3A_2, %get3A_3] : memref<1024x3xf32, #tpu.memory_space<vmem>>, vector<1024x1xf32>
    %get3A_5 = arith.constant 0 : index
    %get3A_6 = arith.constant 2 : index
    %get3A_7 = vector.load %arg1[%get3A_5, %get3A_6] : memref<1024x3xf32, #tpu.memory_space<vmem>>, vector<1024x1xf32>
    %get3A_8 = arith.constant 0 : index
    %get3A_9 = arith.constant 0 : index
    %get3A_10 = vector.load %arg2[%get3A_8, %get3A_9] : memref<1x4096xf32, #tpu.memory_space<vmem>>, vector<1x4096xf32>
    %sub3A = vector.broadcast %get3A_1 : vector<1024x1xf32> to vector<1024x4096xf32>
    %sub3A_11 = vector.broadcast %get3A_10 : vector<1x4096xf32> to vector<1024x4096xf32>
    %sub3A_12 = arith.subf %sub3A, %sub3A_11 : vector<1024x4096xf32>
    %integer_pow3A = arith.mulf %sub3A_12, %sub3A_12 : vector<1024x4096xf32>
    %get3A_13 = arith.constant 0 : index
    %get3A_14 = arith.constant 0 : index
    %get3A_15 = vector.load %arg3[%get3A_13, %get3A_14] : memref<1x4096xf32, #tpu.memory_space<vmem>>, vector<1x4096xf32>
    %sub3A_16 = vector.broadcast %get3A_4 : vector<1024x1xf32> to vector<1024x4096xf32>
    %sub3A_17 = vector.broadcast %get3A_15 : vector<1x4096xf32> to vector<1024x4096xf32>
    %sub3A_18 = arith.subf %sub3A_16, %sub3A_17 : vector<1024x4096xf32>
    %integer_pow3A_19 = arith.mulf %sub3A_18, %sub3A_18 : vector<1024x4096xf32>
    %add3A = arith.addf %integer_pow3A, %integer_pow3A_19 : vector<1024x4096xf32>
    %get3A_20 = arith.constant 0 : index
    %get3A_21 = arith.constant 0 : index
    %get3A_22 = vector.load %arg4[%get3A_20, %get3A_21] : memref<1x4096xf32, #tpu.memory_space<vmem>>, vector<1x4096xf32>
    %sub3A_23 = vector.broadcast %get3A_7 : vector<1024x1xf32> to vector<1024x4096xf32>
    %sub3A_24 = vector.broadcast %get3A_22 : vector<1x4096xf32> to vector<1024x4096xf32>
    %sub3A_25 = arith.subf %sub3A_23, %sub3A_24 : vector<1024x4096xf32>
    %integer_pow3A_26 = arith.mulf %sub3A_25, %sub3A_25 : vector<1024x4096xf32>
    %add3A_27 = arith.addf %add3A, %integer_pow3A_26 : vector<1024x4096xf32>
    %iota3A = tpu.iota {dimensions = array<i32: 1>} : vector<1024x4096xi32>
    %broadcast_in_dim3A = arith.constant 0.000000e+00 : f32
    %broadcast_in_dim3A_28 = vector.broadcast %broadcast_in_dim3A : f32 to vector<1024x4096xf32>
    %broadcast_in_dim3A_29 = arith.constant 0.000000e+00 : f32
    %broadcast_in_dim3A_30 = vector.broadcast %broadcast_in_dim3A_29 : f32 to vector<1024x1xf32>
    %reduce_min3A = arith.constant dense<0x7F800000> : vector<1024xf32>
    %reduce_min3A_31 = vector.multi_reduction <minimumf>, %add3A_27, %reduce_min3A [1] : vector<1024x4096xf32> to vector<1024xf32>
    %broadcast_in_dim3A_32 = vector.shape_cast %reduce_min3A_31 : vector<1024xf32> to vector<1024x1xf32>
    %eq3A = vector.broadcast %broadcast_in_dim3A_32 : vector<1024x1xf32> to vector<1024x4096xf32>
    %eq3A_33 = arith.cmpf oeq, %add3A_27, %eq3A : vector<1024x4096xf32>
    %jit3A = arith.constant 1073741824 : i32
    %broadcast_in_dim3A_34 = vector.broadcast %jit3A : i32 to vector<1024x4096xi32>
    %select_n3A = arith.select %eq3A_33, %iota3A, %broadcast_in_dim3A_34 : vector<1024x4096xi1>, vector<1024x4096xi32>
    %reduce_min3A_35 = arith.constant dense<2147483647> : vector<1024xi32>
    %reduce_min3A_36 = vector.multi_reduction <minsi>, %select_n3A, %reduce_min3A_35 [1] : vector<1024x4096xi32> to vector<1024xi32>
    %broadcast_in_dim3A_37 = vector.shape_cast %reduce_min3A_36 : vector<1024xi32> to vector<1024x1xi32>
    %eq3A_38 = vector.broadcast %broadcast_in_dim3A_37 : vector<1024x1xi32> to vector<1024x4096xi32>
    %eq3A_39 = arith.cmpi eq, %iota3A, %eq3A_38 : vector<1024x4096xi32>
    %max3A = arith.constant 1.000000e-16 : f32
    %max3A_40 = vector.broadcast %max3A : f32 to vector<1024x1xf32>
    %max3A_41 = arith.maximumf %broadcast_in_dim3A_32, %max3A_40 : vector<1024x1xf32>
    %div3A = arith.constant 1.000000e+00 : f32
    %div3A_42 = vector.broadcast %div3A : f32 to vector<1024x1xf32>
    %div3A_43 = arith.divf %div3A_42, %max3A_41 : vector<1024x1xf32>
    %jit3A_44 = arith.constant 0.000000e+00 : f32
    %broadcast_in_dim3A_45 = vector.shape_cast %div3A_43 : vector<1024x1xf32> to vector<1024x1xf32>
    %broadcast_in_dim3A_46 = vector.broadcast %broadcast_in_dim3A_45 : vector<1024x1xf32> to vector<1024x4096xf32>
    %broadcast_in_dim3A_47 = vector.broadcast %jit3A_44 : f32 to vector<1024x4096xf32>
    %select_n3A_48 = arith.select %eq3A_39, %broadcast_in_dim3A_46, %broadcast_in_dim3A_47 : vector<1024x4096xi1>, vector<1024x4096xf32>
    %add3A_49 = arith.addf %broadcast_in_dim3A_28, %select_n3A_48 : vector<1024x4096xf32>
    %add3A_50 = arith.addf %broadcast_in_dim3A_30, %div3A_43 : vector<1024x1xf32>
    %jit3A_51 = arith.constant 0x7F800000 : f32
    %broadcast_in_dim3A_52 = vector.broadcast %jit3A_51 : f32 to vector<1024x4096xf32>
    %select_n3A_53 = arith.select %eq3A_39, %broadcast_in_dim3A_52, %add3A_27 : vector<1024x4096xi1>, vector<1024x4096xf32>
    %reduce_min3A_54 = arith.constant dense<0x7F800000> : vector<1024xf32>
    %reduce_min3A_55 = vector.multi_reduction <minimumf>, %select_n3A_53, %reduce_min3A_54 [1] : vector<1024x4096xf32> to vector<1024xf32>
    %broadcast_in_dim3A_56 = vector.shape_cast %reduce_min3A_55 : vector<1024xf32> to vector<1024x1xf32>
    %eq3A_57 = vector.broadcast %broadcast_in_dim3A_56 : vector<1024x1xf32> to vector<1024x4096xf32>
    %eq3A_58 = arith.cmpf oeq, %select_n3A_53, %eq3A_57 : vector<1024x4096xf32>
    %jit3A_59 = arith.constant 1073741824 : i32
    %broadcast_in_dim3A_60 = vector.broadcast %jit3A_59 : i32 to vector<1024x4096xi32>
    %select_n3A_61 = arith.select %eq3A_58, %iota3A, %broadcast_in_dim3A_60 : vector<1024x4096xi1>, vector<1024x4096xi32>
    %reduce_min3A_62 = arith.constant dense<2147483647> : vector<1024xi32>
    %reduce_min3A_63 = vector.multi_reduction <minsi>, %select_n3A_61, %reduce_min3A_62 [1] : vector<1024x4096xi32> to vector<1024xi32>
    %broadcast_in_dim3A_64 = vector.shape_cast %reduce_min3A_63 : vector<1024xi32> to vector<1024x1xi32>
    %eq3A_65 = vector.broadcast %broadcast_in_dim3A_64 : vector<1024x1xi32> to vector<1024x4096xi32>
    %eq3A_66 = arith.cmpi eq, %iota3A, %eq3A_65 : vector<1024x4096xi32>
    %max3A_67 = arith.constant 1.000000e-16 : f32
    %max3A_68 = vector.broadcast %max3A_67 : f32 to vector<1024x1xf32>
    %max3A_69 = arith.maximumf %broadcast_in_dim3A_56, %max3A_68 : vector<1024x1xf32>
    %div3A_70 = arith.constant 1.000000e+00 : f32
    %div3A_71 = vector.broadcast %div3A_70 : f32 to vector<1024x1xf32>
    %div3A_72 = arith.divf %div3A_71, %max3A_69 : vector<1024x1xf32>
    %jit3A_73 = arith.constant 0.000000e+00 : f32
    %broadcast_in_dim3A_74 = vector.shape_cast %div3A_72 : vector<1024x1xf32> to vector<1024x1xf32>
    %broadcast_in_dim3A_75 = vector.broadcast %broadcast_in_dim3A_74 : vector<1024x1xf32> to vector<1024x4096xf32>
    %broadcast_in_dim3A_76 = vector.broadcast %jit3A_73 : f32 to vector<1024x4096xf32>
    %select_n3A_77 = arith.select %eq3A_66, %broadcast_in_dim3A_75, %broadcast_in_dim3A_76 : vector<1024x4096xi1>, vector<1024x4096xf32>
    %add3A_78 = arith.addf %add3A_49, %select_n3A_77 : vector<1024x4096xf32>
    %add3A_79 = arith.addf %add3A_50, %div3A_72 : vector<1024x1xf32>
    %jit3A_80 = arith.constant 0x7F800000 : f32
    %broadcast_in_dim3A_81 = vector.broadcast %jit3A_80 : f32 to vector<1024x4096xf32>
    %select_n3A_82 = arith.select %eq3A_66, %broadcast_in_dim3A_81, %select_n3A_53 : vector<1024x4096xi1>, vector<1024x4096xf32>
    %reduce_min3A_83 = arith.constant dense<0x7F800000> : vector<1024xf32>
    %reduce_min3A_84 = vector.multi_reduction <minimumf>, %select_n3A_82, %reduce_min3A_83 [1] : vector<1024x4096xf32> to vector<1024xf32>
    %broadcast_in_dim3A_85 = vector.shape_cast %reduce_min3A_84 : vector<1024xf32> to vector<1024x1xf32>
    %eq3A_86 = vector.broadcast %broadcast_in_dim3A_85 : vector<1024x1xf32> to vector<1024x4096xf32>
    %eq3A_87 = arith.cmpf oeq, %select_n3A_82, %eq3A_86 : vector<1024x4096xf32>
    %jit3A_88 = arith.constant 1073741824 : i32
    %broadcast_in_dim3A_89 = vector.broadcast %jit3A_88 : i32 to vector<1024x4096xi32>
    %select_n3A_90 = arith.select %eq3A_87, %iota3A, %broadcast_in_dim3A_89 : vector<1024x4096xi1>, vector<1024x4096xi32>
    %reduce_min3A_91 = arith.constant dense<2147483647> : vector<1024xi32>
    %reduce_min3A_92 = vector.multi_reduction <minsi>, %select_n3A_90, %reduce_min3A_91 [1] : vector<1024x4096xi32> to vector<1024xi32>
    %broadcast_in_dim3A_93 = vector.shape_cast %reduce_min3A_92 : vector<1024xi32> to vector<1024x1xi32>
    %eq3A_94 = vector.broadcast %broadcast_in_dim3A_93 : vector<1024x1xi32> to vector<1024x4096xi32>
    %eq3A_95 = arith.cmpi eq, %iota3A, %eq3A_94 : vector<1024x4096xi32>
    %max3A_96 = arith.constant 1.000000e-16 : f32
    %max3A_97 = vector.broadcast %max3A_96 : f32 to vector<1024x1xf32>
    %max3A_98 = arith.maximumf %broadcast_in_dim3A_85, %max3A_97 : vector<1024x1xf32>
    %div3A_99 = arith.constant 1.000000e+00 : f32
    %div3A_100 = vector.broadcast %div3A_99 : f32 to vector<1024x1xf32>
    %div3A_101 = arith.divf %div3A_100, %max3A_98 : vector<1024x1xf32>
    %jit3A_102 = arith.constant 0.000000e+00 : f32
    %broadcast_in_dim3A_103 = vector.shape_cast %div3A_101 : vector<1024x1xf32> to vector<1024x1xf32>
    %broadcast_in_dim3A_104 = vector.broadcast %broadcast_in_dim3A_103 : vector<1024x1xf32> to vector<1024x4096xf32>
    %broadcast_in_dim3A_105 = vector.broadcast %jit3A_102 : f32 to vector<1024x4096xf32>
    %select_n3A_106 = arith.select %eq3A_95, %broadcast_in_dim3A_104, %broadcast_in_dim3A_105 : vector<1024x4096xi1>, vector<1024x4096xf32>
    %add3A_107 = arith.addf %add3A_78, %select_n3A_106 : vector<1024x4096xf32>
    %add3A_108 = arith.addf %add3A_79, %div3A_101 : vector<1024x1xf32>
    %get3A_109 = arith.constant 0 : index
    %get3A_110 = arith.constant 0 : index
    %get3A_111 = vector.load %arg5[%get3A_109, %get3A_110] : memref<4096x128xf32, #tpu.memory_space<vmem>>, vector<4096x128xf32>
    %dot_general3A = arith.constant dense<0.000000e+00> : vector<1024x128xf32>
    %dot_general3A_112 = tpu.matmul %add3A_107, %get3A_111, %dot_general3A {dimension_numbers = #tpu.dot_dimension_numbers<[1], [0], [0], [1], [0, 0, 1, 1], [], []>, precision = #tpu.contract_precision<fp32>, transpose_lhs_hint = false} : vector<1024x4096xf32>, vector<4096x128xf32>, vector<1024x128xf32> -> vector<1024x128xf32>
    %div3A_113 = vector.broadcast %add3A_108 : vector<1024x1xf32> to vector<1024x128xf32>
    %div3A_114 = arith.divf %dot_general3A_112, %div3A_113 : vector<1024x128xf32>
    %get3A_115 = arith.constant 0 : index
    %get3A_116 = arith.constant 0 : index
    %get3A_117 = vector.load %arg7[%get3A_115, %get3A_116] : memref<128x128xf32, #tpu.memory_space<vmem>>, vector<128x128xf32>
    %dot_general3A_118 = arith.constant dense<0.000000e+00> : vector<1024x128xf32>
    %dot_general3A_119 = tpu.matmul %div3A_114, %get3A_117, %dot_general3A_118 {dimension_numbers = #tpu.dot_dimension_numbers<[1], [0], [0], [1], [0, 0, 1, 1], [], []>, transpose_lhs_hint = false} : vector<1024x128xf32>, vector<128x128xf32>, vector<1024x128xf32> -> vector<1024x128xf32>
    %get3A_120 = arith.constant 0 : index
    %get3A_121 = arith.constant 0 : index
    %get3A_122 = vector.load %arg6[%get3A_120, %get3A_121] : memref<1024x3xf32, #tpu.memory_space<vmem>>, vector<1024x3xf32>
    %get3A_123 = arith.constant 0 : index
    %get3A_124 = arith.constant 0 : index
    %get3A_125 = vector.load %arg8[%get3A_123, %get3A_124] : memref<3x128xf32, #tpu.memory_space<vmem>>, vector<3x128xf32>
    %dot_general3A_126 = arith.constant dense<0.000000e+00> : vector<1024x128xf32>
    %dot_general3A_127 = tpu.matmul %get3A_122, %get3A_125, %dot_general3A_126 {dimension_numbers = #tpu.dot_dimension_numbers<[1], [0], [0], [1], [0, 0, 1, 1], [], []>, transpose_lhs_hint = false} : vector<1024x3xf32>, vector<3x128xf32>, vector<1024x128xf32> -> vector<1024x128xf32>
    %add3A_128 = arith.addf %dot_general3A_119, %dot_general3A_127 : vector<1024x128xf32>
    %get3A_129 = arith.constant 0 : index
    %get3A_130 = vector.load %arg9[%get3A_129] : memref<128xf32, #tpu.memory_space<vmem>>, vector<128xf32>
    %broadcast_in_dim3A_131 = vector.shape_cast %get3A_130 : vector<128xf32> to vector<1x128xf32>
    %add3A_132 = vector.broadcast %broadcast_in_dim3A_131 : vector<1x128xf32> to vector<1024x128xf32>
    %add3A_133 = arith.addf %add3A_128, %add3A_132 : vector<1024x128xf32>
    %max3A_134 = arith.constant 0.000000e+00 : f32
    %max3A_135 = vector.broadcast %max3A_134 : f32 to vector<1024x128xf32>
    %max3A_136 = arith.maximumf %add3A_133, %max3A_135 : vector<1024x128xf32>
    %get3A_137 = arith.constant 0 : index
    %get3A_138 = arith.constant 0 : index
    %get3A_139 = vector.load %arg10[%get3A_137, %get3A_138] : memref<128x128xf32, #tpu.memory_space<vmem>>, vector<128x128xf32>
    %dot_general3A_140 = arith.constant dense<0.000000e+00> : vector<1024x128xf32>
    %dot_general3A_141 = tpu.matmul %max3A_136, %get3A_139, %dot_general3A_140 {dimension_numbers = #tpu.dot_dimension_numbers<[1], [0], [0], [1], [0, 0, 1, 1], [], []>, transpose_lhs_hint = false} : vector<1024x128xf32>, vector<128x128xf32>, vector<1024x128xf32> -> vector<1024x128xf32>
    %get3A_142 = arith.constant 0 : index
    %get3A_143 = vector.load %arg11[%get3A_142] : memref<128xf32, #tpu.memory_space<vmem>>, vector<128xf32>
    %broadcast_in_dim3A_144 = vector.shape_cast %get3A_143 : vector<128xf32> to vector<1x128xf32>
    %add3A_145 = vector.broadcast %broadcast_in_dim3A_144 : vector<1x128xf32> to vector<1024x128xf32>
    %add3A_146 = arith.addf %dot_general3A_141, %add3A_145 : vector<1024x128xf32>
    %max3A_147 = arith.constant 0.000000e+00 : f32
    %max3A_148 = vector.broadcast %max3A_147 : f32 to vector<1024x128xf32>
    %max3A_149 = arith.maximumf %add3A_146, %max3A_148 : vector<1024x128xf32>
    %get3A_150 = arith.constant 0 : index
    %get3A_151 = arith.constant 0 : index
    %get3A_152 = vector.load %arg12[%get3A_150, %get3A_151] : memref<128x128xf32, #tpu.memory_space<vmem>>, vector<128x128xf32>
    %dot_general3A_153 = arith.constant dense<0.000000e+00> : vector<1024x128xf32>
    %dot_general3A_154 = tpu.matmul %max3A_149, %get3A_152, %dot_general3A_153 {dimension_numbers = #tpu.dot_dimension_numbers<[1], [0], [0], [1], [0, 0, 1, 1], [], []>, transpose_lhs_hint = false} : vector<1024x128xf32>, vector<128x128xf32>, vector<1024x128xf32> -> vector<1024x128xf32>
    %get3A_155 = arith.constant 0 : index
    %get3A_156 = vector.load %arg13[%get3A_155] : memref<128xf32, #tpu.memory_space<vmem>>, vector<128xf32>
    %broadcast_in_dim3A_157 = vector.shape_cast %get3A_156 : vector<128xf32> to vector<1x128xf32>
    %add3A_158 = vector.broadcast %broadcast_in_dim3A_157 : vector<1x128xf32> to vector<1024x128xf32>
    %add3A_159 = arith.addf %dot_general3A_154, %add3A_158 : vector<1024x128xf32>
    %get3A_160 = arith.constant 0 : index
    %get3A_161 = arith.constant 0 : index
    %get3A_162 = vector.load %arg14[%get3A_160, %get3A_161] : memref<128x128xf32, #tpu.memory_space<vmem>>, vector<128x128xf32>
    %dot_general3A_163 = arith.constant dense<0.000000e+00> : vector<1024x128xf32>
    %dot_general3A_164 = tpu.matmul %add3A_159, %get3A_162, %dot_general3A_163 {dimension_numbers = #tpu.dot_dimension_numbers<[1], [0], [0], [1], [0, 0, 1, 1], [], []>, transpose_lhs_hint = false} : vector<1024x128xf32>, vector<128x128xf32>, vector<1024x128xf32> -> vector<1024x128xf32>
    %get3A_165 = arith.constant 0 : index
    %get3A_166 = vector.load %arg15[%get3A_165] : memref<128xf32, #tpu.memory_space<vmem>>, vector<128xf32>
    %broadcast_in_dim3A_167 = vector.shape_cast %get3A_166 : vector<128xf32> to vector<1x128xf32>
    %add3A_168 = vector.broadcast %broadcast_in_dim3A_167 : vector<1x128xf32> to vector<1024x128xf32>
    %add3A_169 = arith.addf %dot_general3A_164, %add3A_168 : vector<1024x128xf32>
    %max3A_170 = arith.constant 0.000000e+00 : f32
    %max3A_171 = vector.broadcast %max3A_170 : f32 to vector<1024x128xf32>
    %max3A_172 = arith.maximumf %add3A_169, %max3A_171 : vector<1024x128xf32>
    %get3A_173 = arith.constant 0 : index
    %get3A_174 = arith.constant 0 : index
    %get3A_175 = vector.load %arg16[%get3A_173, %get3A_174] : memref<128x128xf32, #tpu.memory_space<vmem>>, vector<128x128xf32>
    %dot_general3A_176 = arith.constant dense<0.000000e+00> : vector<1024x128xf32>
    %dot_general3A_177 = tpu.matmul %max3A_172, %get3A_175, %dot_general3A_176 {dimension_numbers = #tpu.dot_dimension_numbers<[1], [0], [0], [1], [0, 0, 1, 1], [], []>, transpose_lhs_hint = false} : vector<1024x128xf32>, vector<128x128xf32>, vector<1024x128xf32> -> vector<1024x128xf32>
    %get3A_178 = arith.constant 0 : index
    %get3A_179 = vector.load %arg17[%get3A_178] : memref<128xf32, #tpu.memory_space<vmem>>, vector<128xf32>
    %broadcast_in_dim3A_180 = vector.shape_cast %get3A_179 : vector<128xf32> to vector<1x128xf32>
    %add3A_181 = vector.broadcast %broadcast_in_dim3A_180 : vector<1x128xf32> to vector<1024x128xf32>
    %add3A_182 = arith.addf %dot_general3A_177, %add3A_181 : vector<1024x128xf32>
    %max3A_183 = arith.constant 0.000000e+00 : f32
    %max3A_184 = vector.broadcast %max3A_183 : f32 to vector<1024x128xf32>
    %max3A_185 = arith.maximumf %add3A_182, %max3A_184 : vector<1024x128xf32>
    %get3A_186 = arith.constant 0 : index
    %get3A_187 = arith.constant 0 : index
    %get3A_188 = vector.load %arg18[%get3A_186, %get3A_187] : memref<128x8xf32, #tpu.memory_space<vmem>>, vector<128x8xf32>
    %dot_general3A_189 = arith.constant dense<0.000000e+00> : vector<1024x8xf32>
    %dot_general3A_190 = tpu.matmul %max3A_185, %get3A_188, %dot_general3A_189 {dimension_numbers = #tpu.dot_dimension_numbers<[1], [0], [0], [1], [0, 0, 1, 1], [], []>, transpose_lhs_hint = false} : vector<1024x128xf32>, vector<128x8xf32>, vector<1024x8xf32> -> vector<1024x8xf32>
    %get3A_191 = arith.constant 0 : index
    %get3A_192 = vector.load %arg19[%get3A_191] : memref<8xf32, #tpu.memory_space<vmem>>, vector<8xf32>
    %broadcast_in_dim3A_193 = vector.shape_cast %get3A_192 : vector<8xf32> to vector<1x8xf32>
    %add3A_194 = vector.broadcast %broadcast_in_dim3A_193 : vector<1x8xf32> to vector<1024x8xf32>
    %add3A_195 = arith.addf %dot_general3A_190, %add3A_194 : vector<1024x8xf32>
    %swap3A = arith.constant 0 : index
    %swap3A_196 = arith.constant 0 : index
    %swap3A_197 = vector.load %arg20[%swap3A, %swap3A_196] : memref<1024x8xf32, #tpu.memory_space<vmem>>, vector<1024x8xf32>
    tpu.vector_store %arg20[%swap3A, %swap3A_196], %add3A_195 {strides = array<i32>} : memref<1024x8xf32, #tpu.memory_space<vmem>>, vector<1024x8xf32>,
    return
  }
  func.func @transform_0(%arg0: i32) -> (i32, i32) {
    %c0_i32 = arith.constant 0 : i32
    %c0_i32_0 = arith.constant 0 : i32
    return %arg0, %c0_i32 : i32, i32
  }
  func.func @transform_1(%arg0: i32) -> (i32, i32) {
    %c0_i32 = arith.constant 0 : i32
    %c0_i32_0 = arith.constant 0 : i32
    %c0_i32_1 = arith.constant 0 : i32
    return %c0_i32, %c0_i32_0 : i32, i32
  }
  func.func @transform_2(%arg0: i32) -> (i32, i32) {
    %c0_i32 = arith.constant 0 : i32
    %c0_i32_0 = arith.constant 0 : i32
    %c0_i32_1 = arith.constant 0 : i32
    return %c0_i32, %c0_i32_0 : i32, i32
  }
  func.func @transform_3(%arg0: i32) -> (i32, i32) {
    %c0_i32 = arith.constant 0 : i32
    %c0_i32_0 = arith.constant 0 : i32
    %c0_i32_1 = arith.constant 0 : i32
    return %c0_i32, %c0_i32_0 : i32, i32
  }
  func.func @transform_4(%arg0: i32) -> (i32, i32) {
    %c0_i32 = arith.constant 0 : i32
    %c0_i32_0 = arith.constant 0 : i32
    %c0_i32_1 = arith.constant 0 : i32
    return %c0_i32, %c0_i32_0 : i32, i32
  }
  func.func @transform_5(%arg0: i32) -> (i32, i32) {
    %c0_i32 = arith.constant 0 : i32
    %c0_i32_0 = arith.constant 0 : i32
    return %arg0, %c0_i32 : i32, i32
  }
  func.func @transform_6(%arg0: i32) -> (i32, i32) {
    %c0_i32 = arith.constant 0 : i32
    %c0_i32_0 = arith.constant 0 : i32
    %c0_i32_1 = arith.constant 0 : i32
    return %c0_i32, %c0_i32_0 : i32, i32
  }
  func.func @transform_7(%arg0: i32) -> (i32, i32) {
    %c0_i32 = arith.constant 0 : i32
    %c0_i32_0 = arith.constant 0 : i32
    %c0_i32_1 = arith.constant 0 : i32
    return %c0_i32, %c0_i32_0 : i32, i32
  }
  func.func @transform_8(%arg0: i32) -> i32 {
    %c0_i32 = arith.constant 0 : i32
    %c0_i32_0 = arith.constant 0 : i32
    return %c0_i32 : i32
  }
  func.func @transform_9(%arg0: i32) -> (i32, i32) {
    %c0_i32 = arith.constant 0 : i32
    %c0_i32_0 = arith.constant 0 : i32
    %c0_i32_1 = arith.constant 0 : i32
    return %c0_i32, %c0_i32_0 : i32, i32
  }
  func.func @transform_10(%arg0: i32) -> i32 {
    %c0_i32 = arith.constant 0 : i32
    %c0_i32_0 = arith.constant 0 : i32
    return %c0_i32 : i32
  }
  func.func @transform_11(%arg0: i32) -> (i32, i32) {
    %c0_i32 = arith.constant 0 : i32
    %c0_i32_0 = arith.constant 0 : i32
    %c0_i32_1 = arith.constant 0 : i32
    return %c0_i32, %c0_i32_0 : i32, i32
  }
  func.func @transform_12(%arg0: i32) -> i32 {
    %c0_i32 = arith.constant 0 : i32
    %c0_i32_0 = arith.constant 0 : i32
    return %c0_i32 : i32
  }
  func.func @transform_13(%arg0: i32) -> (i32, i32) {
    %c0_i32 = arith.constant 0 : i32
    %c0_i32_0 = arith.constant 0 : i32
    %c0_i32_1 = arith.constant 0 : i32
    return %c0_i32, %c0_i32_0 : i32, i32
  }
  func.func @transform_14(%arg0: i32) -> i32 {
    %c0_i32 = arith.constant 0 : i32
    %c0_i32_0 = arith.constant 0 : i32
    return %c0_i32 : i32
  }
  func.func @transform_15(%arg0: i32) -> (i32, i32) {
    %c0_i32 = arith.constant 0 : i32
    %c0_i32_0 = arith.constant 0 : i32
    %c0_i32_1 = arith.constant 0 : i32
    return %c0_i32, %c0_i32_0 : i32, i32
  }
  func.func @transform_16(%arg0: i32) -> i32 {
    %c0_i32 = arith.constant 0 : i32
    %c0_i32_0 = arith.constant 0 : i32
    return %c0_i32 : i32
  }
  func.func @transform_17(%arg0: i32) -> (i32, i32) {
    %c0_i32 = arith.constant 0 : i32
    %c0_i32_0 = arith.constant 0 : i32
    %c0_i32_1 = arith.constant 0 : i32
    return %c0_i32, %c0_i32_0 : i32, i32
  }
  func.func @transform_18(%arg0: i32) -> i32 {
    %c0_i32 = arith.constant 0 : i32
    %c0_i32_0 = arith.constant 0 : i32
    return %c0_i32 : i32
  }
  func.func @transform_19(%arg0: i32) -> (i32, i32) {
    %c0_i32 = arith.constant 0 : i32
    %c0_i32_0 = arith.constant 0 : i32
    return %arg0, %c0_i32 : i32, i32
  }
}

</mosaic_0001>

<sc_bundles>
// kernel: kernel.13.cloned.1.call-start
scs
__scs_entry_jumppad:
0x0: {  	(pc) =	sbr.rel $0x88, $3  }
0x1: {  	(tag) =	ssettag $0x0;
	lr =	simm.s32 $0x1  }
0x2: {  	[smem:$0x3F79] =	sst lr;
	_ =	strace $0xD0000000  }
0x3: {  	_ = 	snop  }
0x4: {  	_ = 	snop  }
0x5: {  	_ = 	snop  }
0x6: {  	_ = 	snop  }
0x7: {  	_ = 	snop  }
__scs_overlays_trampoline_lowered:
0x8: {  	[smem:$0x3F88] =	sst s0  }
0x9: {  	[smem:$0x3F89] =	sst s1  }
0xa: {  	[smem:$0x3F8A] =	sst s2  }
0xb: {  	[smem:$0x3F8B] =	sst s3  }
0xc: {  	[smem:$0x3F8C] =	sst s4  }
0xd: {  	[smem:$0x3F8D] =	sst s5  }
0xe: {  	[smem:$0x3F8E] =	sst s6  }
0xf: {  	[smem:$0x3F8F] =	sst s7  }
0x10: {  	[smem:$0x3F90] =	sst s8  }
0x11: {  	[smem:$0x3F91] =	sst s9;
	s0 =	simm.s32 @!p0 $0x0  }
0x12: {  	s1 =	sld [smem:$0x3F77];
	s0 =	simm.s32 @p0 $0x1  }
0x13: {  	[smem:$0x3F92] =	sst s0;
	s0 =	simm.s32 @!p1 $0x0  }
0x14: {  	s2 =	sld [smem:$0x3F76];
	s0 =	simm.s32 @p1 $0x1  }
0x15: {  	[smem:$0x3F93] =	sst s0;
	s0 =	simm.s32 @!p2 $0x0  }
0x16: {  	s3 =	sld [smem:$0x3FDB];
	s0 =	simm.s32 @p2 $0x1  }
0x17: {  	s4 =	simm.s32 $0x1BF5;
	[smem:$0x3F95] =	sst s0  }
0x18: {  	s0 =	sld [smem:$0x3F78];
	_ =	swait.ge [sflag:s4], $0x0  }
0x19: {  	s7 =	sld [smem:$0x3F79]  }
0x1a: {  	s8 =	sadd.s32 $0xFFFFE003, lr  }
0x1b: {  	s9 =	sadd.s32 $0xFFFFFEF7, lr;
	s5 =	simm.s32 $0xFFFFFFFF;
	p2 =	slt.u32 s8, $0xFFFFF086  }
0x1c: {  	p1 =	slt.u32 s9, $0xF7A;
	s5 =	simm.s32 @!p2 $0x0  }
0x1d: {  	s5 =	simm.s32 @p1 $0x1;
	p0 =	seq.s32 s7, s2  }
0x1e: {  	s7 =	smul.u32 @!p0 $0xF7A, s2;
	p2 =	seq.s32 @!p0 s5, $0x0  }
0x1f: {  	s9 =	smul.u32 $0xF7A, s1;
	s8 =	simm.s32 @!p0 $0x1BF5;
	p2 =	por !p2, p0  }
0x20: {  	[sflag:s8] =	ssyncset.s32 @!p0 $0xFFFFF086;
	s6 =	sadd.s32 @!p0 s3, s7;
	s7 =	simm.s32 @!p0 $0x108  }
0x21: {  	s3 =	sadd.s32 s3, s9;
	s6 =	sadd.s32 @!p0 $0x88, s6;
	s7 =	simm.s32 @p2 $0x1082  }
0x22: {  	[simem:s7], [sflag:s8] =	dma.local @!p0 [hbm:s6], $0xF7A  }
0x23: {  	s9 =	sor.u32 $0xD0000000, s2;
	s6 =	simm.s32 $0x108;
	_ =	swait.ge @!p0 [sflag:s8], $0x0  }
0x24: {  	s3 =	sadd.s32 $0x88, s3;
	s6 =	simm.s32 @!p1 $0x1082;
	[sflag:s4] =	ssyncset.s32 $0xFFFFF086  }
0x25: {  	[simem:s6], [sflag:s4] =	dma.local [hbm:s3], $0xF7A  }
0x26: {  	[smem:$0x3F79] =	sst s1;
	(tag) =	ssettag s2;
	_ =	strace s9  }
0x27: {  	s1 =	sld [smem:$0x3F89]  }
0x28: {  	s2 =	sld [smem:$0x3F8A]  }
0x29: {  	s4 =	sld [smem:$0x3F8C]  }
0x2a: {  	p0 =	seq.s32 s5, $0x0;
	s5 =	sld [smem:$0x3F8D]  }
0x2b: {  	s6 =	sld [smem:$0x3F8E]  }
0x2c: {  	s7 =	sld [smem:$0x3F8F]  }
0x2d: {  	s3 =	simm.s32 $0x108;
	s8 =	sld [smem:$0x3F90]  }
0x2e: {  	s3 =	simm.s32 @!p0 $0x1082;
	s9 =	sld [smem:$0x3F91]  }
0x2f: {  	lr =	sadd.s32 s0, s3;
	s0 =	sld [smem:$0x3F88]  }
0x30: {  	s3 =	sld [smem:$0x3F8B]  }
0x31: {  	[smem:$0x3F94] =	sst s10  }
0x32: {  	s10 =	sld [smem:$0x3F92];
	_ =	sdelay $0x3  }
0x33: {  	p0 =	seq.s32 s10, $0x1;
	s10 =	sld [smem:$0x3F94];
	_ =	sdelay $0x3  }
0x34: {  	[smem:$0x3F94] =	sst s10  }
0x35: {  	s10 =	sld [smem:$0x3F93];
	_ =	sdelay $0x3  }
0x36: {  	p1 =	seq.s32 s10, $0x1;
	s10 =	sld [smem:$0x3F94];
	_ =	sdelay $0x3  }
0x37: {  	[smem:$0x3F94] =	sst s10  }
0x38: {  	s10 =	sld [smem:$0x3F95]  }
0x39: {  	_ = 	snop;
	(pc) =	sbr.ind lr, $3  }
0x3a: {  	_ = 	snop  }
0x3b: {  	_ = 	snop  }
0x3c: {  	p2 =	seq.s32 s10, $0x1;
	s10 =	sld [smem:$0x3F94]  }
0x3d: {  	_ =	shalt  }
0x3e: {  	_ =	shalt  }
0x3f: {  	_ =	shalt  }
0x40: {  	_ =	shalt  }
0x41: {  	_ =	shalt  }
0x42: {  	_ =	shalt  }
0x43: {  	_ =	shalt  }
0x44: {  	_ =	shalt  }
0x45: {  	_ =	shalt  }
0x46: {  	_ =	shalt  }
0x47: {  	_ =	shalt  }
0x48: {  	_ =	shalt  }
0x49: {  	_ =	shalt  }
0x4a: {  	_ =	shalt  }
0x4b: {  	_ =	shalt  }
0x4c: {  	_ =	shalt  }
0x4d: {  	_ =	shalt  }
0x4e: {  	_ =	shalt  }
0x4f: {  	_ =	shalt  }
0x50: {  	_ =	shalt  }
0x51: {  	_ =	shalt  }
0x52: {  	_ =	shalt  }
0x53: {  	_ =	shalt  }
0x54: {  	_ =	shalt  }
0x55: {  	_ =	shalt  }
0x56: {  	_ =	shalt  }
0x57: {  	_ =	shalt  }
0x58: {  	_ =	shalt  }
0x59: {  	_ =	shalt  }
0x5a: {  	_ =	shalt  }
0x5b: {  	_ =	shalt  }
0x5c: {  	_ =	shalt  }
0x5d: {  	_ =	shalt  }
0x5e: {  	_ =	shalt  }
0x5f: {  	_ =	shalt  }
0x60: {  	_ =	shalt  }
0x61: {  	_ =	shalt  }
0x62: {  	_ =	shalt  }
0x63: {  	_ =	shalt  }
0x64: {  	_ =	shalt  }
0x65: {  	_ =	shalt  }
0x66: {  	_ =	shalt  }
0x67: {  	_ =	shalt  }
0x68: {  	_ =	shalt  }
0x69: {  	_ =	shalt  }
0x6a: {  	_ =	shalt  }
0x6b: {  	_ =	shalt  }
0x6c: {  	_ =	shalt  }
0x6d: {  	_ =	shalt  }
0x6e: {  	_ =	shalt  }
0x6f: {  	_ =	shalt  }
0x70: {  	_ =	shalt  }
0x71: {  	_ =	shalt  }
0x72: {  	_ =	shalt  }
0x73: {  	_ =	shalt  }
0x74: {  	_ =	shalt  }
0x75: {  	_ =	shalt  }
0x76: {  	_ =	shalt  }
0x77: {  	_ =	shalt  }
0x78: {  	_ =	shalt  }
0x79: {  	_ =	shalt  }
0x7a: {  	_ =	shalt  }
0x7b: {  	_ =	shalt  }
0x7c: {  	_ =	shalt  }
0x7d: {  	_ =	shalt  }
0x7e: {  	_ =	shalt  }
0x7f: {  	_ =	shalt  }
0x80: {  	_ =	shalt  }
0x81: {  	_ =	shalt  }
0x82: {  	_ =	shalt  }
0x83: {  	_ =	shalt  }
0x84: {  	_ =	shalt  }
0x85: {  	_ =	shalt  }
0x86: {  	_ =	shalt  }
0x87: {  	_ =	shalt  }
.Lfunc_end0:
.L_simem_size_0:
called_computation.1_lowered:
.L_overlay_start_0:
0x88: {  	s2 =	sld [smem:$0x3FD9]  }
0x89: {  	s3 =	sld [smem:$0x3FFE];
	_ =	sdelay $0x1  }
0x8a: {  	s1 =	srdreg.scid  }
0x8b: {  	s0 =	sand.u32 $0x1, s1  }
0x8c: {  	s16 =	sshll.u32 s0, $0xA;
	s2 =	sadd.s32 s3, s2  }
0x8d: {  	s2 =	sadd.s32 s2, s16  }
0x8e: {  	[smem:$0x3FA0] =	sst s2  }
0x8f: {  	_ = 	snop  }
0x90: {  	(tm) =	ssettm $0x1  }
0x91: {  	s17 =	sld [smem:$0x3FFB];
	_ =	sdelay $0x3  }
0x92: {  	_ =	strace s17  }
0x93: {  	s2 =	sld [smem:$0x3FFC];
	_ =	sdelay $0x3  }
0x94: {  	_ =	strace s2  }
0x95: {  	s2 =	sld [smem:$0x3FFD];
	_ =	sdelay $0x3  }
0x96: {  	_ =	strace s2  }
0x97: {  	_ =	strace $0x8FFFFFFF  }
0x98: {  	s18 =	sld [smem:$0x3FDB];
	_ =	sdelay $0x1  }
0x99: {  	s19 =	simm.s32 $_scs_section_size  }
0x9a: {  	s4 =	simm.s32 $_size__tile_overlayer_lowered;
	s5 =	simm.s32 $_tile_overlayer_lowered  }
0x9b: {  	s22 =	simm.s32 $0x1BFF;
	s21 =	sshll.u32 s5, $0x1;
	s2 =	sadd.s32 s19, s18  }
0x9c: {  	s6 =	simm.s32 $0x0;
	s20 =	sshll.u32 s4, $0x1;
	s4 =	sadd.s32 s21, s2  }
0x9d: {  	[timem:s6], [sflag:s22] =	dma.local [hbm:s4], s20  }
0x9e: {  	_ =	swait.ge [sflag:s22], s20  }
0x9f: {  	s3 =	ssub.s32 $0x0, s20;
	[sflag:s22] =	ssyncset.done $0x0  }
0xa0: {  	[sflag:s22] =	ssyncadd.s32 s3;
	_ =	sdelay $0x1  }
0xa1: {  	s23 =	simm.s32 $0x1B8B  }
0xa2: {  	_ =	swait.ge [sflag:s23], $0x1  }
0xa3: {  	[sflag:s23] =	ssyncset.done $0x0  }
0xa4: {  	s25 =	simm.s32 $0x1B8E;
	s24 =	sld [smem:$0x3FFE];
	[sflag:s23] =	ssyncadd.s32 $0xFFFFFFFF  }
0xa5: {  	s26 =	simm.s32 $execute0_lowered;
	[smem:$0x3FD2] =	sst s25  }
0xa6: {  	s4 =	sshll.u32 s26, $0x1;
	_ =	strace $0x80000049;
	[dreg:$0x1] =	wrdreg $0xFFFFFFFF  }
0xa7: {  	s28 =	simm.s32 $_size_execute0_lowered;
	s2 =	sadd.s32 s2, s4;
	[dreg:$0x0] =	wrdreg $0x0  }
0xa8: {  	s4 =	sshll.u32 s28, $0x1;
	[dreg:$0x2] =	wrdreg s2  }
0xa9: {  	[dreg:$0x3] =	wrdreg s4  }
0xaa: {  	[dreg:$0x4] =	wrdreg $0xC0  }
0xab: {  	_ =	task [dreg:s6], $0x5FFFF  }
0xac: {  	[dreg:$0x1] =	wrdreg $0xFFFFFFFF  }
0xad: {  	[dreg:$0x0] =	wrdreg $0x60  }
0xae: {  	[dreg:$0x2] =	wrdreg s24  }
0xaf: {  	[dreg:$0x3] =	wrdreg $0x9  }
0xb0: {  	_ =	task.clear_ibuf [dreg:s6], $0x4FFFF;
	_ =	strace $0x90000049  }
0xb1: {  	s29 =	simm.s32 $0x9;
	_ =	strace $0x8000004B  }
0xb2: {  	_ =	swait.ge [sflag:s29], $0x1  }
0xb3: {  	[sflag:s29] =	ssyncadd.s32 $0xFFFFFFFF  }
0xb4: {  	_ =	strace $0x9000004B  }
0xb5: {  	_ =	sfence  }
0xb6: {  	s30 =	sld [smem:$0x0];
	_ =	sdelay $0x2  }
0xb7: {  	s31 =	sshll.u32 s1, $0xD;
	s1 =	sshrl.u32 s1, $0x2  }
0xb8: {  	s3 =	sand.u32 $0x4000, s31;
	s1 =	sadd.s32 s1, s30  }
0xb9: {  	s0 =	sor.u32 s3, s0;
	s1 =	sshll.u32 s1, $0x11  }
0xba: {  	s0 =	sor.u32 s1, s0  }
0xbb: {  	s0 =	sadd.s32 $0x8F2B, s0  }
0xbc: {  	[sflag:s0] =	ssyncadd.remote.s32 $0x1  }
0xbd: {  	_ =	sfence.sel $0xFFFF  }
0xbe: {  	[dreg:$0x0] =	wrdreg $0xFFFFFFFF;
	(pc) =	sbr.abs _section_cstart, $3  }
0xbf: {  	[dreg:$0x1] =	wrdreg $0xFFFFFFFF  }
0xc0: {  	_ =	task.clear_ibuf [dreg:s6], $0x2FFFF;
	_ =	strace $0x9FFFFFFF  }
0xc1: {  	(tm) =	ssettm $0x7FFFFFFF  }
tec
execute0_lowered:
.L_overlay_start_1:
0x0: {  	(tag) =	ssettag $0x1  }
0x1: {  	s7 =	rddreg [dreg:$0x0]  }
0x2: {  	s0 =	rddreg [dreg:$0x1];
	s2 =	simm.s32 $0x0;
	s3 =	srdreg.scid  }
0x3: {  	s1 =	stileid.u32;
	s11 =	simm.s32 $0x2440;
	s12 =	simm.s32 $0x40  }
0x4: {  	s13 =	simm.s32 $0x2040;
	s14 =	simm.s32 $0x1;
	s15 =	simm.s32 $0x0  }
0x5: {  	[smem:$0x7FF] =	sst s2;
	s5 =	sand.u32 $0x1, s3;
	s4 =	sshll.u32 s1, $0x8  }
0x6: {  	s3 =	sadd.s32 $0x414E00, s7;
	_ =	strace $0x8000004A;
	s6 =	sshll.u32 s5, $0x7  }
0x7: {  	s8 =	ssub.s32 $0x2, s5;
	s5 =	sadd.s32 $0x835000, s7;
	s4 =	sor.u32 s6, s4  }
0x8: {  	s10 =	sshrl.u32 s8, $0x1;
	s6 =	sadd.s32 $0x14E00, s7;
	s9 =	sshrl.u32 s4, $0x3  }
0x9: {  	s8 =	ssub.s32 s8, s10;
	s10 =	simm.s32 $0x2000;
	s7 =	sadd.s32 s9, s7  }
0xa: {  	v0 =	vimm.s32 $0x0;
	v1 =	vlaneseq.u32;
	s8 =	smax.u32 s8, $0x1;
	s9 =	simm.s32 $0x2;
	s7 =	sadd.s32 $0x4600, s7  }
.LBB2_1:
0xb: {  	s16 =	simm.s32 $0x0  }
.LBB2_2:
0xc: {  	s17 =	sor.u32 s4, s16  }
0xd: {  	s18 =	sshll.u32 s17, $0xA  }
0xe: {  	s19 =	sadd.s32 s3, s18;
	s18 =	simm.s32 $0x0  }
0xf: {  	[tilespmem:s18], [sflag:$0x2] =	stream.linear.gather [hbm4b:s19+s18], $0x2000, $0x38;
	[tilespmem:$0x24C0] =	vst v63  }
0x10: {  	_ =	swait.ge [sflag:s9], $0x2000  }
0x11: {  	[sflag:s9] =	ssyncset.done $0x0  }
0x12: {  	[sflag:s9] =	ssyncadd.s32 $0xFFFFE000  }
0x13: {  	[tilespmem:$0x2000] =	vst v0  }
0x14: {  	[tilespmem:$0x2010] =	vst v0  }
0x15: {  	[tilespmem:$0x2020] =	vst v0  }
0x16: {  	[tilespmem:$0x2030] =	vst v0  }
0x17: {  	v2 =	vld [tilespmem:s18+$0x0];
	_ =	sdelay $0x4  }
0x18: {  	vm0 =	vle.f32 v2, $0.0e+00  }
0x19: {  	v2 =	vsel vm0, $0x1, v0  }
0x1a: {  	(xrf0) =	vadd.scan.msk.s32 $0xffff, v2;
	_ =	sdelay $0x2  }
0x1b: {  	v2 =	vmov s18  }
0x1c: {  	v2 =	vadd.s32 $0xFFFFFFFF, v2  }
0x1d: {  	v2 =	vbroadcast v2, $0x0  }
0x1e: {  	v3, _, _ =	vpop (xrf0)  }
0x1f: {  	v2 =	vadd.s32 v2, v3;
	v3 =	vxor.u32 $0x80000000, v3  }
0x20: {  	(xrf0) =	vmax.scan.msk.u32 $0xffff, v3;
	_ =	sdelay $0x3  }
0x21: {  	vm1 =	vlt.s32 v2, $0x40  }
0x22: {  	vm0 =	vmand vm0, vm1  }
0x23: {  	v4, _, _ =	vpop (xrf0)  }
0x24: {  	(v2sf) =	vpush v4, $0xF;
	_ =	sdelay $0x2  }
0x25: {  	v3 =	vor.u32 s18, v1  }
0x26: {  	s19 =	simm.s32 $0x10;
	[tilespmem:v2+s10+$0x0] =	vst.idx.msk vm0, v3  }
0x27: {  	s20 =	simm.s32 $0x20;
	s21 =	simm.s32 $0x10;
	v2 =	vld [tilespmem:s19+$0x0]  }
.LBB2_3:
0x28: {  	p0 =	sne.s32 s20, $0x1FF0;
	_ =	sdelay $0x3  }
0x29: {  	vm0 =	vle.f32 v2, $0.0e+00  }
0x2a: {  	v2 =	vsel vm0, $0x1, v0  }
0x2b: {  	(xrf0) =	vadd.scan.msk.s32 $0xffff, v2;
	_ =	sdelay $0x2  }
0x2c: {  	s22 =	spop (v2sf)  }
0x2d: {  	s18 =	sadd.s32 s22, s18  }
0x2e: {  	s18 =	sadd.s32 $0x80000000, s18  }
0x2f: {  	v2 =	vmov s18;
	v3, _, _ =	vpop (xrf0)  }
0x30: {  	v2 =	vadd.s32 $0xFFFFFFFF, v2;
	v4 =	vxor.u32 $0x80000000, v3  }
0x31: {  	v2 =	vbroadcast v2, $0x0;
	(xrf0) =	vmax.scan.msk.u32 $0xffff, v4;
	_ =	sdelay $0x1  }
0x32: {  	v2 =	vadd.s32 v2, v3  }
0x33: {  	vm1 =	vlt.s32 v2, $0x40  }
0x34: {  	vm0 =	vmand vm0, vm1;
	_ =	sdelay $0x1  }
0x35: {  	v3, _, _ =	vpop (xrf0)  }
0x36: {  	(v2sf) =	vpush v3, $0xF  }
.Ltmp0:
0x37: {  	(pc) =	sbr.rel @p0 .LBB2_3-.Ltmp0, $4  }
0x38: {  	v3 =	vor.u32 s19, v1;
	s19 =	smov.u32 s20  }
0x39: {  	[tilespmem:v2+s10+$0x0] =	vst.idx.msk vm0, v3  }
0x3a: {  	s21 =	sadd.s32 $0x10, s21  }
0x3b: {  	s20 =	sadd.s32 $0x10, s20;
	v2 =	vld [tilespmem:s21+$0x0]  }
0x3c: {  	_ =	sdelay $0x3  }
0x3d: {  	vm0 =	vle.f32 v2, $0.0e+00  }
0x3e: {  	v2 =	vsel vm0, $0x1, v0  }
0x3f: {  	(xrf0) =	vadd.scan.msk.s32 $0xffff, v2;
	_ =	sdelay $0x5  }
0x40: {  	v2, _, _ =	vpop (xrf0)  }
0x41: {  	v3 =	vxor.u32 $0x80000000, v2  }
0x42: {  	(xrf0) =	vmax.scan.msk.u32 $0xffff, v3;
	_ =	sdelay $0x5  }
0x43: {  	v3, _, _ =	vpop (xrf0)  }
0x44: {  	(v2sf) =	vpush v3, $0xF;
	_ =	sdelay $0x4  }
0x45: {  	s20 =	spop (v2sf)  }
0x46: {  	s18 =	sadd.s32 s20, s18  }
0x47: {  	s18 =	sadd.s32 $0x80000000, s18  }
0x48: {  	v3 =	vmov s18  }
0x49: {  	v3 =	vadd.s32 $0xFFFFFFFF, v3  }
0x4a: {  	v3 =	vbroadcast v3, $0x0;
	_ =	sdelay $0x1  }
0x4b: {  	v2 =	vadd.s32 v3, v2  }
0x4c: {  	vm1 =	vlt.s32 v2, $0x40  }
0x4d: {  	vm0 =	vmand vm0, vm1  }
0x4e: {  	s31 =	spop (v2sf)  }
0x4f: {  	v3 =	vmov s16;
	s18 =	sadd.s32 s31, s18  }
0x50: {  	s18 =	sadd.s32 $0x80000000, s18  }
0x51: {  	p0 =	slt.s32 s18, $0x40  }
0x52: {  	v4 =	vor.u32 s19, v1;
	s18 =	simm.s32 @!p0 $0x40  }
0x53: {  	[tilespmem:v2+s10+$0x0] =	vst.idx.msk vm0, v4;
	v2 =	vmov s18  }
0x54: {  	[tilespmem:v3+s11+$0x0] =	vst.idx.msk $0x1, v2  }
0x55: {  	[tilespmem:s13], [sflag:$0x1] =	stream.indirect.gather [hbm4b:s5+s12], $0x10, s10, s12, $0xb8;
	[tilespmem:$0x24C0] =	vst v63  }
0x56: {  	s16 =	sadd.s32 $0x1, s16;
	_ =	swait.ge [sflag:s14], $0x400  }
0x57: {  	s17 =	sshll.u32 s17, $0x7;
	p0 =	sne.s32 s16, $0x80;
	[sflag:s14] =	ssyncset.done $0x0  }
.Ltmp1:
0x58: {  	s17 =	sadd.s32 s6, s17;
	[sflag:s14] =	ssyncadd.s32 $0xFFFFFC00;
	(pc) =	sbr.rel @p0 .LBB2_2-.Ltmp1, $4  }
0x59: {  	[hbm4b:s17+s2] =	stream.linear.scatter [tilespmem:s13], [sflag:$0x2], $0x400, $0x38;
	[tilespmem:$0x24C0] =	vst v63  }
0x5a: {  	_ =	swait.ge [sflag:s9], $0x400  }
0x5b: {  	[sflag:s9] =	ssyncset.done $0x0  }
0x5c: {  	[sflag:s9] =	ssyncadd.s32 $0xFFFFFC00  }
0x5d: {  	s15 =	sadd.s32 $0x1, s15  }
0x5e: {  	p0 =	sne.s32 s15, s8  }
.Ltmp2:
0x5f: {  	_ = 	snop;
	(pc) =	sbr.rel @p0 .LBB2_1-.Ltmp2, $4  }
0x60: {  	[hbm4b:s7+s2] =	stream.linear.scatter [tilespmem:s11], [sflag:$0x2], $0x80, $0x38;
	[tilespmem:$0x24C0] =	vst v63  }
0x61: {  	_ =	swait.ge [sflag:s9], $0x80  }
0x62: {  	[sflag:s9] =	ssyncset.done $0x0  }
0x63: {  	[sflag:s9] =	ssyncadd.s32 $0xFFFFFF80  }
0x64: {  	_ =	sfence.sel $0x180000  }
0x65: {  	[bflag:$0x0] =	sbarrier.arrive $0xFFFF  }
0x66: {  	p0 =	sne.s32 s1, $0x0;
	_ =	strace $0x9000004A  }
0x67: {  	s0 =	sadd.s32 @!p0 $0x100000, s0;
	[bflag:$0x2] =	sbarrier.arrive $0xFFFF  }
0x68: {  	[sflag:s0] =	ssyncadd.tile.s32 @!p0 $0x1;
	_ =	shalt  }
.Lfunc_end2:
_tile_overlayer_lowered:
.L_overlay_start_2:
0x69: {  	(tag) =	ssettag $0x2  }
0x6a: {  	s0 =	rddreg [dreg:$0x0];
	s2 =	stileid.u32  }
0x6b: {  	s1 =	rddreg [dreg:$0x1];
	p0 =	sne.s32 s2, $0x0  }
0x6c: {  	s3 =	rddreg [dreg:$0x2];
	[bflag:$0x3] =	sbarrier.arrive $0xFFFF;
	s2 =	simm.s32 @!p0 $0x1C02  }
0x6d: {  	[timem:s3], [sflag:s2] =	dma.local @!p0 [hbm:s0], s1  }
0x6e: {  	s0 =	simm.s32 @!p0 $0x2  }
0x6f: {  	_ =	swait.ge @!p0 [sflag:s0], s1  }
0x70: {  	s1 =	ssub.s32 @!p0 $0x0, s1;
	[sflag:s0] =	ssyncset.done @!p0 $0x0  }
0x71: {  	[sflag:s0] =	ssyncadd.s32 @!p0 s1  }
0x72: {  	[bflag:$0x3] =	sbarrier.arrive $0xFFFF  }
0x73: {  	_ =	shalt  }

// kernel: kernel.16.cloned.1.call-start
scs
__scs_entry_jumppad:
0x0: {  	(pc) =	sbr.rel $0x88, $3  }
0x1: {  	(tag) =	ssettag $0x0;
	lr =	simm.s32 $0x1  }
0x2: {  	[smem:$0x3F79] =	sst lr;
	_ =	strace $0xD0000000  }
0x3: {  	_ = 	snop  }
0x4: {  	_ = 	snop  }
0x5: {  	_ = 	snop  }
0x6: {  	_ = 	snop  }
0x7: {  	_ = 	snop  }
__scs_overlays_trampoline_lowered:
0x8: {  	[smem:$0x3F88] =	sst s0  }
0x9: {  	[smem:$0x3F89] =	sst s1  }
0xa: {  	[smem:$0x3F8A] =	sst s2  }
0xb: {  	[smem:$0x3F8B] =	sst s3  }
0xc: {  	[smem:$0x3F8C] =	sst s4  }
0xd: {  	[smem:$0x3F8D] =	sst s5  }
0xe: {  	[smem:$0x3F8E] =	sst s6  }
0xf: {  	[smem:$0x3F8F] =	sst s7  }
0x10: {  	[smem:$0x3F90] =	sst s8  }
0x11: {  	[smem:$0x3F91] =	sst s9;
	s0 =	simm.s32 @!p0 $0x0  }
0x12: {  	s1 =	sld [smem:$0x3F77];
	s0 =	simm.s32 @p0 $0x1  }
0x13: {  	[smem:$0x3F92] =	sst s0;
	s0 =	simm.s32 @!p1 $0x0  }
0x14: {  	s2 =	sld [smem:$0x3F76];
	s0 =	simm.s32 @p1 $0x1  }
0x15: {  	[smem:$0x3F93] =	sst s0;
	s0 =	simm.s32 @!p2 $0x0  }
0x16: {  	s3 =	sld [smem:$0x3FDB];
	s0 =	simm.s32 @p2 $0x1  }
0x17: {  	s4 =	simm.s32 $0x1BF5;
	[smem:$0x3F95] =	sst s0  }
0x18: {  	s0 =	sld [smem:$0x3F78];
	_ =	swait.ge [sflag:s4], $0x0  }
0x19: {  	s7 =	sld [smem:$0x3F79]  }
0x1a: {  	s8 =	sadd.s32 $0xFFFFE003, lr  }
0x1b: {  	s9 =	sadd.s32 $0xFFFFFEF7, lr;
	s5 =	simm.s32 $0xFFFFFFFF;
	p2 =	slt.u32 s8, $0xFFFFF086  }
0x1c: {  	p1 =	slt.u32 s9, $0xF7A;
	s5 =	simm.s32 @!p2 $0x0  }
0x1d: {  	s5 =	simm.s32 @p1 $0x1;
	p0 =	seq.s32 s7, s2  }
0x1e: {  	s7 =	smul.u32 @!p0 $0xF7A, s2;
	p2 =	seq.s32 @!p0 s5, $0x0  }
0x1f: {  	s9 =	smul.u32 $0xF7A, s1;
	s8 =	simm.s32 @!p0 $0x1BF5;
	p2 =	por !p2, p0  }
0x20: {  	[sflag:s8] =	ssyncset.s32 @!p0 $0xFFFFF086;
	s6 =	sadd.s32 @!p0 s3, s7;
	s7 =	simm.s32 @!p0 $0x108  }
0x21: {  	s3 =	sadd.s32 s3, s9;
	s6 =	sadd.s32 @!p0 $0x88, s6;
	s7 =	simm.s32 @p2 $0x1082  }
0x22: {  	[simem:s7], [sflag:s8] =	dma.local @!p0 [hbm:s6], $0xF7A  }
0x23: {  	s9 =	sor.u32 $0xD0000000, s2;
	s6 =	simm.s32 $0x108;
	_ =	swait.ge @!p0 [sflag:s8], $0x0  }
0x24: {  	s3 =	sadd.s32 $0x88, s3;
	s6 =	simm.s32 @!p1 $0x1082;
	[sflag:s4] =	ssyncset.s32 $0xFFFFF086  }
0x25: {  	[simem:s6], [sflag:s4] =	dma.local [hbm:s3], $0xF7A  }
0x26: {  	[smem:$0x3F79] =	sst s1;
	(tag) =	ssettag s2;
	_ =	strace s9  }
0x27: {  	s1 =	sld [smem:$0x3F89]  }
0x28: {  	s2 =	sld [smem:$0x3F8A]  }
0x29: {  	s4 =	sld [smem:$0x3F8C]  }
0x2a: {  	p0 =	seq.s32 s5, $0x0;
	s5 =	sld [smem:$0x3F8D]  }
0x2b: {  	s6 =	sld [smem:$0x3F8E]  }
0x2c: {  	s7 =	sld [smem:$0x3F8F]  }
0x2d: {  	s3 =	simm.s32 $0x108;
	s8 =	sld [smem:$0x3F90]  }
0x2e: {  	s3 =	simm.s32 @!p0 $0x1082;
	s9 =	sld [smem:$0x3F91]  }
0x2f: {  	lr =	sadd.s32 s0, s3;
	s0 =	sld [smem:$0x3F88]  }
0x30: {  	s3 =	sld [smem:$0x3F8B]  }
0x31: {  	[smem:$0x3F94] =	sst s10  }
0x32: {  	s10 =	sld [smem:$0x3F92];
	_ =	sdelay $0x3  }
0x33: {  	p0 =	seq.s32 s10, $0x1;
	s10 =	sld [smem:$0x3F94];
	_ =	sdelay $0x3  }
0x34: {  	[smem:$0x3F94] =	sst s10  }
0x35: {  	s10 =	sld [smem:$0x3F93];
	_ =	sdelay $0x3  }
0x36: {  	p1 =	seq.s32 s10, $0x1;
	s10 =	sld [smem:$0x3F94];
	_ =	sdelay $0x3  }
0x37: {  	[smem:$0x3F94] =	sst s10  }
0x38: {  	s10 =	sld [smem:$0x3F95]  }
0x39: {  	_ = 	snop;
	(pc) =	sbr.ind lr, $3  }
0x3a: {  	_ = 	snop  }
0x3b: {  	_ = 	snop  }
0x3c: {  	p2 =	seq.s32 s10, $0x1;
	s10 =	sld [smem:$0x3F94]  }
0x3d: {  	_ =	shalt  }
0x3e: {  	_ =	shalt  }
0x3f: {  	_ =	shalt  }
0x40: {  	_ =	shalt  }
0x41: {  	_ =	shalt  }
0x42: {  	_ =	shalt  }
0x43: {  	_ =	shalt  }
0x44: {  	_ =	shalt  }
0x45: {  	_ =	shalt  }
0x46: {  	_ =	shalt  }
0x47: {  	_ =	shalt  }
0x48: {  	_ =	shalt  }
0x49: {  	_ =	shalt  }
0x4a: {  	_ =	shalt  }
0x4b: {  	_ =	shalt  }
0x4c: {  	_ =	shalt  }
0x4d: {  	_ =	shalt  }
0x4e: {  	_ =	shalt  }
0x4f: {  	_ =	shalt  }
0x50: {  	_ =	shalt  }
0x51: {  	_ =	shalt  }
0x52: {  	_ =	shalt  }
0x53: {  	_ =	shalt  }
0x54: {  	_ =	shalt  }
0x55: {  	_ =	shalt  }
0x56: {  	_ =	shalt  }
0x57: {  	_ =	shalt  }
0x58: {  	_ =	shalt  }
0x59: {  	_ =	shalt  }
0x5a: {  	_ =	shalt  }
0x5b: {  	_ =	shalt  }
0x5c: {  	_ =	shalt  }
0x5d: {  	_ =	shalt  }
0x5e: {  	_ =	shalt  }
0x5f: {  	_ =	shalt  }
0x60: {  	_ =	shalt  }
0x61: {  	_ =	shalt  }
0x62: {  	_ =	shalt  }
0x63: {  	_ =	shalt  }
0x64: {  	_ =	shalt  }
0x65: {  	_ =	shalt  }
0x66: {  	_ =	shalt  }
0x67: {  	_ =	shalt  }
0x68: {  	_ =	shalt  }
0x69: {  	_ =	shalt  }
0x6a: {  	_ =	shalt  }
0x6b: {  	_ =	shalt  }
0x6c: {  	_ =	shalt  }
0x6d: {  	_ =	shalt  }
0x6e: {  	_ =	shalt  }
0x6f: {  	_ =	shalt  }
0x70: {  	_ =	shalt  }
0x71: {  	_ =	shalt  }
0x72: {  	_ =	shalt  }
0x73: {  	_ =	shalt  }
0x74: {  	_ =	shalt  }
0x75: {  	_ =	shalt  }
0x76: {  	_ =	shalt  }
0x77: {  	_ =	shalt  }
0x78: {  	_ =	shalt  }
0x79: {  	_ =	shalt  }
0x7a: {  	_ =	shalt  }
0x7b: {  	_ =	shalt  }
0x7c: {  	_ =	shalt  }
0x7d: {  	_ =	shalt  }
0x7e: {  	_ =	shalt  }
0x7f: {  	_ =	shalt  }
0x80: {  	_ =	shalt  }
0x81: {  	_ =	shalt  }
0x82: {  	_ =	shalt  }
0x83: {  	_ =	shalt  }
0x84: {  	_ =	shalt  }
0x85: {  	_ =	shalt  }
0x86: {  	_ =	shalt  }
0x87: {  	_ =	shalt  }
.Lfunc_end0:
.L_simem_size_0:
called_computation.2_lowered:
.L_overlay_start_0:
0x88: {  	s2 =	sld [smem:$0x3FD9]  }
0x89: {  	s3 =	sld [smem:$0x3FFE];
	_ =	sdelay $0x1  }
0x8a: {  	s1 =	srdreg.scid  }
0x8b: {  	s0 =	sand.u32 $0x1, s1  }
0x8c: {  	s16 =	sshll.u32 s0, $0xA;
	s2 =	sadd.s32 s3, s2  }
0x8d: {  	s2 =	sadd.s32 s2, s16  }
0x8e: {  	[smem:$0x3FA0] =	sst s2  }
0x8f: {  	_ = 	snop  }
0x90: {  	(tm) =	ssettm $0x1  }
0x91: {  	s17 =	sld [smem:$0x3FFB];
	_ =	sdelay $0x3  }
0x92: {  	_ =	strace s17  }
0x93: {  	s2 =	sld [smem:$0x3FFC];
	_ =	sdelay $0x3  }
0x94: {  	_ =	strace s2  }
0x95: {  	s2 =	sld [smem:$0x3FFD];
	_ =	sdelay $0x3  }
0x96: {  	_ =	strace s2  }
0x97: {  	_ =	strace $0x8FFFFFFF  }
0x98: {  	s18 =	sld [smem:$0x3FDB];
	_ =	sdelay $0x1  }
0x99: {  	s19 =	simm.s32 $_scs_section_size  }
0x9a: {  	s4 =	simm.s32 $_size__tile_overlayer_lowered;
	s5 =	simm.s32 $_tile_overlayer_lowered  }
0x9b: {  	s22 =	simm.s32 $0x1BFF;
	s21 =	sshll.u32 s5, $0x1;
	s2 =	sadd.s32 s19, s18  }
0x9c: {  	s6 =	simm.s32 $0x0;
	s20 =	sshll.u32 s4, $0x1;
	s4 =	sadd.s32 s21, s2  }
0x9d: {  	[timem:s6], [sflag:s22] =	dma.local [hbm:s4], s20  }
0x9e: {  	_ =	swait.ge [sflag:s22], s20  }
0x9f: {  	s3 =	ssub.s32 $0x0, s20;
	[sflag:s22] =	ssyncset.done $0x0  }
0xa0: {  	[sflag:s22] =	ssyncadd.s32 s3;
	_ =	sdelay $0x1  }
0xa1: {  	s23 =	simm.s32 $0x1B8B  }
0xa2: {  	_ =	swait.ge [sflag:s23], $0x1  }
0xa3: {  	[sflag:s23] =	ssyncset.done $0x0  }
0xa4: {  	s25 =	simm.s32 $0x1B8E;
	s24 =	sld [smem:$0x3FFE];
	[sflag:s23] =	ssyncadd.s32 $0xFFFFFFFF  }
0xa5: {  	s26 =	simm.s32 $execute0_lowered;
	[smem:$0x3FD2] =	sst s25  }
0xa6: {  	s4 =	sshll.u32 s26, $0x1;
	_ =	strace $0x8000004C;
	[dreg:$0x1] =	wrdreg $0xFFFFFFFF  }
0xa7: {  	s28 =	simm.s32 $_size_execute0_lowered;
	s2 =	sadd.s32 s2, s4;
	[dreg:$0x0] =	wrdreg $0x0  }
0xa8: {  	s4 =	sshll.u32 s28, $0x1;
	[dreg:$0x2] =	wrdreg s2  }
0xa9: {  	[dreg:$0x3] =	wrdreg s4  }
0xaa: {  	[dreg:$0x4] =	wrdreg $0xC0  }
0xab: {  	_ =	task [dreg:s6], $0x5FFFF  }
0xac: {  	[dreg:$0x1] =	wrdreg $0xFFFFFFFF  }
0xad: {  	[dreg:$0x0] =	wrdreg $0x60  }
0xae: {  	[dreg:$0x2] =	wrdreg s24  }
0xaf: {  	[dreg:$0x3] =	wrdreg $0x9  }
0xb0: {  	_ =	task.clear_ibuf [dreg:s6], $0x4FFFF;
	_ =	strace $0x9000004C  }
0xb1: {  	s29 =	simm.s32 $0x9;
	_ =	strace $0x8000004E  }
0xb2: {  	_ =	swait.ge [sflag:s29], $0x1  }
0xb3: {  	[sflag:s29] =	ssyncadd.s32 $0xFFFFFFFF  }
0xb4: {  	_ =	strace $0x9000004E  }
0xb5: {  	_ =	sfence  }
0xb6: {  	s30 =	sld [smem:$0x0];
	_ =	sdelay $0x2  }
0xb7: {  	s31 =	sshll.u32 s1, $0xD;
	s1 =	sshrl.u32 s1, $0x2  }
0xb8: {  	s3 =	sand.u32 $0x4000, s31;
	s1 =	sadd.s32 s1, s30  }
0xb9: {  	s0 =	sor.u32 s3, s0;
	s1 =	sshll.u32 s1, $0x11  }
0xba: {  	s0 =	sor.u32 s1, s0  }
0xbb: {  	s0 =	sadd.s32 $0x8F2B, s0  }
0xbc: {  	[sflag:s0] =	ssyncadd.remote.s32 $0x1  }
0xbd: {  	_ =	sfence.sel $0xFFFF  }
0xbe: {  	[dreg:$0x0] =	wrdreg $0xFFFFFFFF;
	(pc) =	sbr.abs _section_cstart, $3  }
0xbf: {  	[dreg:$0x1] =	wrdreg $0xFFFFFFFF  }
0xc0: {  	_ =	task.clear_ibuf [dreg:s6], $0x2FFFF;
	_ =	strace $0x9FFFFFFF  }
0xc1: {  	(tm) =	ssettm $0x7FFFFFFF  }
tec
execute0_lowered:
.L_overlay_start_1:
0x0: {  	(tag) =	ssettag $0x1  }
0x1: {  	s7 =	rddreg [dreg:$0x0]  }
0x2: {  	s0 =	rddreg [dreg:$0x1];
	s2 =	simm.s32 $0x0;
	s3 =	srdreg.scid  }
0x3: {  	s1 =	stileid.u32;
	s11 =	simm.s32 $0x3440;
	s12 =	simm.s32 $0x40  }
0x4: {  	s13 =	simm.s32 $0x1040;
	s14 =	simm.s32 $0x1;
	s15 =	simm.s32 $0x0  }
0x5: {  	[smem:$0x7FF] =	sst s2;
	s5 =	sand.u32 $0x1, s3;
	s4 =	sshll.u32 s1, $0x6  }
0x6: {  	s3 =	sadd.s32 $0x94E00, s7;
	_ =	strace $0x8000004D;
	s6 =	sshll.u32 s5, $0x5  }
0x7: {  	s8 =	ssub.s32 $0x2, s5;
	s5 =	sadd.s32 $0x14E00, s7;
	s4 =	sor.u32 s6, s4  }
0x8: {  	s10 =	sshrl.u32 s8, $0x1;
	s6 =	sadd.s32 $0x114E00, s7;
	s9 =	sshrl.u32 s4, $0x3  }
0x9: {  	s8 =	ssub.s32 s8, s10;
	s10 =	simm.s32 $0x1000;
	s7 =	sadd.s32 s9, s7  }
0xa: {  	v0 =	vimm.s32 $0x0;
	v1 =	vlaneseq.u32;
	s8 =	smax.u32 s8, $0x1;
	s9 =	simm.s32 $0x2;
	s7 =	sadd.s32 $0x4600, s7  }
.LBB2_1:
0xb: {  	s16 =	simm.s32 $0x0  }
.LBB2_2:
0xc: {  	s17 =	sor.u32 s4, s16  }
0xd: {  	s18 =	sshll.u32 s17, $0x9  }
0xe: {  	s19 =	sadd.s32 s3, s18;
	s18 =	simm.s32 $0x0  }
0xf: {  	[tilespmem:s18], [sflag:$0x2] =	stream.linear.gather [hbm4b:s19+s18], $0x1000, $0x38;
	[tilespmem:$0x3460] =	vst v63  }
0x10: {  	_ =	swait.ge [sflag:s9], $0x1000  }
0x11: {  	[sflag:s9] =	ssyncset.done $0x0  }
0x12: {  	[sflag:s9] =	ssyncadd.s32 $0xFFFFF000  }
0x13: {  	[tilespmem:$0x1000] =	vst v0  }
0x14: {  	[tilespmem:$0x1010] =	vst v0  }
0x15: {  	[tilespmem:$0x1020] =	vst v0  }
0x16: {  	[tilespmem:$0x1030] =	vst v0  }
0x17: {  	v2 =	vld [tilespmem:s18+$0x0];
	_ =	sdelay $0x4  }
0x18: {  	vm0 =	vle.f32 v2, $0.0e+00  }
0x19: {  	v2 =	vsel vm0, $0x1, v0  }
0x1a: {  	(xrf0) =	vadd.scan.msk.s32 $0xffff, v2;
	_ =	sdelay $0x2  }
0x1b: {  	v2 =	vmov s18  }
0x1c: {  	v2 =	vadd.s32 $0xFFFFFFFF, v2  }
0x1d: {  	v2 =	vbroadcast v2, $0x0  }
0x1e: {  	v3, _, _ =	vpop (xrf0)  }
0x1f: {  	v2 =	vadd.s32 v2, v3;
	v3 =	vxor.u32 $0x80000000, v3  }
0x20: {  	(xrf0) =	vmax.scan.msk.u32 $0xffff, v3;
	_ =	sdelay $0x3  }
0x21: {  	vm1 =	vlt.s32 v2, $0x40  }
0x22: {  	vm0 =	vmand vm0, vm1  }
0x23: {  	v4, _, _ =	vpop (xrf0)  }
0x24: {  	(v2sf) =	vpush v4, $0xF;
	_ =	sdelay $0x2  }
0x25: {  	v3 =	vor.u32 s18, v1  }
0x26: {  	s19 =	simm.s32 $0x10;
	[tilespmem:v2+s10+$0x0] =	vst.idx.msk vm0, v3  }
0x27: {  	s20 =	simm.s32 $0x20;
	s21 =	simm.s32 $0x10;
	v2 =	vld [tilespmem:s19+$0x0]  }
.LBB2_3:
0x28: {  	p0 =	sne.s32 s20, $0xFF0;
	_ =	sdelay $0x3  }
0x29: {  	vm0 =	vle.f32 v2, $0.0e+00  }
0x2a: {  	v2 =	vsel vm0, $0x1, v0  }
0x2b: {  	(xrf0) =	vadd.scan.msk.s32 $0xffff, v2;
	_ =	sdelay $0x2  }
0x2c: {  	s22 =	spop (v2sf)  }
0x2d: {  	s18 =	sadd.s32 s22, s18  }
0x2e: {  	s18 =	sadd.s32 $0x80000000, s18  }
0x2f: {  	v2 =	vmov s18;
	v3, _, _ =	vpop (xrf0)  }
0x30: {  	v2 =	vadd.s32 $0xFFFFFFFF, v2;
	v4 =	vxor.u32 $0x80000000, v3  }
0x31: {  	v2 =	vbroadcast v2, $0x0;
	(xrf0) =	vmax.scan.msk.u32 $0xffff, v4;
	_ =	sdelay $0x1  }
0x32: {  	v2 =	vadd.s32 v2, v3  }
0x33: {  	vm1 =	vlt.s32 v2, $0x40  }
0x34: {  	vm0 =	vmand vm0, vm1;
	_ =	sdelay $0x1  }
0x35: {  	v3, _, _ =	vpop (xrf0)  }
0x36: {  	(v2sf) =	vpush v3, $0xF  }
.Ltmp0:
0x37: {  	(pc) =	sbr.rel @p0 .LBB2_3-.Ltmp0, $4  }
0x38: {  	v3 =	vor.u32 s19, v1;
	s19 =	smov.u32 s20  }
0x39: {  	[tilespmem:v2+s10+$0x0] =	vst.idx.msk vm0, v3  }
0x3a: {  	s21 =	sadd.s32 $0x10, s21  }
0x3b: {  	s20 =	sadd.s32 $0x10, s20;
	v2 =	vld [tilespmem:s21+$0x0]  }
0x3c: {  	_ =	sdelay $0x3  }
0x3d: {  	vm0 =	vle.f32 v2, $0.0e+00  }
0x3e: {  	v2 =	vsel vm0, $0x1, v0  }
0x3f: {  	(xrf0) =	vadd.scan.msk.s32 $0xffff, v2;
	_ =	sdelay $0x5  }
0x40: {  	v2, _, _ =	vpop (xrf0)  }
0x41: {  	v3 =	vxor.u32 $0x80000000, v2  }
0x42: {  	(xrf0) =	vmax.scan.msk.u32 $0xffff, v3;
	_ =	sdelay $0x5  }
0x43: {  	v3, _, _ =	vpop (xrf0)  }
0x44: {  	(v2sf) =	vpush v3, $0xF;
	_ =	sdelay $0x4  }
0x45: {  	s20 =	spop (v2sf)  }
0x46: {  	s18 =	sadd.s32 s20, s18  }
0x47: {  	s18 =	sadd.s32 $0x80000000, s18  }
0x48: {  	v3 =	vmov s18  }
0x49: {  	v3 =	vadd.s32 $0xFFFFFFFF, v3  }
0x4a: {  	v3 =	vbroadcast v3, $0x0;
	_ =	sdelay $0x1  }
0x4b: {  	v2 =	vadd.s32 v3, v2  }
0x4c: {  	vm1 =	vlt.s32 v2, $0x40  }
0x4d: {  	vm0 =	vmand vm0, vm1  }
0x4e: {  	s31 =	spop (v2sf)  }
0x4f: {  	v3 =	vmov s16;
	s18 =	sadd.s32 s31, s18  }
0x50: {  	s18 =	sadd.s32 $0x80000000, s18  }
0x51: {  	p0 =	slt.s32 s18, $0x40  }
0x52: {  	v4 =	vor.u32 s19, v1;
	s18 =	simm.s32 @!p0 $0x40  }
0x53: {  	[tilespmem:v2+s10+$0x0] =	vst.idx.msk vm0, v4;
	v2 =	vmov s18  }
0x54: {  	[tilespmem:v3+s11+$0x0] =	vst.idx.msk $0x1, v2  }
0x55: {  	[tilespmem:s13], [sflag:$0x1] =	stream.indirect.gather [hbm4b:s5+s12], $0x90, s10, s12, $0xb8;
	[tilespmem:$0x3460] =	vst v63  }
0x56: {  	s17 =	smul.u32 $0x480, s17;
	s16 =	sadd.s32 $0x1, s16;
	_ =	swait.ge [sflag:s14], $0x2400  }
0x57: {  	p0 =	sne.s32 s16, $0x20;
	[sflag:s14] =	ssyncset.done $0x0  }
.Ltmp1:
0x58: {  	s17 =	sadd.s32 s6, s17;
	[sflag:s14] =	ssyncadd.s32 $0xFFFFDC00;
	(pc) =	sbr.rel @p0 .LBB2_2-.Ltmp1, $4  }
0x59: {  	[hbm4b:s17+s2] =	stream.linear.scatter [tilespmem:s13], [sflag:$0x2], $0x2400, $0x38;
	[tilespmem:$0x3460] =	vst v63  }
0x5a: {  	_ =	swait.ge [sflag:s9], $0x2400  }
0x5b: {  	[sflag:s9] =	ssyncset.done $0x0  }
0x5c: {  	[sflag:s9] =	ssyncadd.s32 $0xFFFFDC00  }
0x5d: {  	s15 =	sadd.s32 $0x1, s15  }
0x5e: {  	p0 =	sne.s32 s15, s8  }
.Ltmp2:
0x5f: {  	_ = 	snop;
	(pc) =	sbr.rel @p0 .LBB2_1-.Ltmp2, $4  }
0x60: {  	[hbm4b:s7+s2] =	stream.linear.scatter [tilespmem:s11], [sflag:$0x2], $0x20, $0x38;
	[tilespmem:$0x3460] =	vst v63  }
0x61: {  	_ =	swait.ge [sflag:s9], $0x20  }
0x62: {  	[sflag:s9] =	ssyncset.done $0x0  }
0x63: {  	[sflag:s9] =	ssyncadd.s32 $0xFFFFFFE0  }
0x64: {  	_ =	sfence.sel $0x180000  }
0x65: {  	[bflag:$0x0] =	sbarrier.arrive $0xFFFF  }
0x66: {  	p0 =	sne.s32 s1, $0x0;
	_ =	strace $0x9000004D  }
0x67: {  	s0 =	sadd.s32 @!p0 $0x100000, s0;
	[bflag:$0x2] =	sbarrier.arrive $0xFFFF  }
0x68: {  	[sflag:s0] =	ssyncadd.tile.s32 @!p0 $0x1;
	_ =	shalt  }
.Lfunc_end2:
_tile_overlayer_lowered:
.L_overlay_start_2:
0x69: {  	(tag) =	ssettag $0x2  }
0x6a: {  	s0 =	rddreg [dreg:$0x0];
	s2 =	stileid.u32  }
0x6b: {  	s1 =	rddreg [dreg:$0x1];
	p0 =	sne.s32 s2, $0x0  }
0x6c: {  	s3 =	rddreg [dreg:$0x2];
	[bflag:$0x3] =	sbarrier.arrive $0xFFFF;
	s2 =	simm.s32 @!p0 $0x1C02  }
0x6d: {  	[timem:s3], [sflag:s2] =	dma.local @!p0 [hbm:s0], s1  }
0x6e: {  	s0 =	simm.s32 @!p0 $0x2  }
0x6f: {  	_ =	swait.ge @!p0 [sflag:s0], s1  }
0x70: {  	s1 =	ssub.s32 @!p0 $0x0, s1;
	[sflag:s0] =	ssyncset.done @!p0 $0x0  }
0x71: {  	[sflag:s0] =	ssyncadd.s32 @!p0 s1  }
0x72: {  	[bflag:$0x3] =	sbarrier.arrive $0xFFFF  }
0x73: {  	_ =	shalt  }

// kernel: sparse-core-data-format-call.cloned.1.call-start
scs
called_computation_lowered:
.L_overlay_start_0:
0x0: {  	s1 =	sld [smem:$0x3FD9]  }
0x1: {  	s2 =	sld [smem:$0x3FFE];
	_ =	sdelay $0x1  }
0x2: {  	s3 =	srdreg.scid  }
0x3: {  	s0 =	sand.u32 $0x1, s3  }
0x4: {  	s17 =	sshll.u32 s0, $0xA;
	s1 =	sadd.s32 s2, s1  }
0x5: {  	s1 =	sadd.s32 s1, s17  }
0x6: {  	[smem:$0x3FA0] =	sst s1  }
0x7: {  	_ = 	snop  }
0x8: {  	(tm) =	ssettm $0x1  }
0x9: {  	s18 =	sld [smem:$0x3FFB];
	_ =	sdelay $0x3  }
0xa: {  	_ =	strace s18  }
0xb: {  	s1 =	sld [smem:$0x3FFC];
	_ =	sdelay $0x3  }
0xc: {  	_ =	strace s1  }
0xd: {  	s1 =	sld [smem:$0x3FFD];
	_ =	sdelay $0x3  }
0xe: {  	_ =	strace s1  }
0xf: {  	_ =	strace $0x8FFFFFFF  }
0x10: {  	s19 =	sld [smem:$0x3FDB];
	_ =	sdelay $0x1  }
0x11: {  	s20 =	simm.s32 $_scs_section_size  }
0x12: {  	s4 =	simm.s32 $_size__tile_overlayer_lowered;
	s5 =	simm.s32 $_tile_overlayer_lowered  }
0x13: {  	s23 =	simm.s32 $0x1BFF;
	s22 =	sshll.u32 s5, $0x1;
	s1 =	sadd.s32 s20, s19  }
0x14: {  	s6 =	simm.s32 $0x0;
	s21 =	sshll.u32 s4, $0x1;
	s4 =	sadd.s32 s22, s1  }
0x15: {  	[timem:s6], [sflag:s23] =	dma.local [hbm:s4], s21  }
0x16: {  	_ =	swait.ge [sflag:s23], s21  }
0x17: {  	s2 =	ssub.s32 $0x0, s21;
	[sflag:s23] =	ssyncset.done $0x0  }
0x18: {  	[sflag:s23] =	ssyncadd.s32 s2;
	_ =	sdelay $0x1  }
0x19: {  	s24 =	simm.s32 $0x1B8B  }
0x1a: {  	_ =	swait.ge [sflag:s24], $0x1  }
0x1b: {  	[sflag:s24] =	ssyncset.done $0x0  }
0x1c: {  	s26 =	simm.s32 $0x1B8E;
	s25 =	sld [smem:$0x3FFE];
	[sflag:s24] =	ssyncadd.s32 $0xFFFFFFFF  }
0x1d: {  	s27 =	simm.s32 $execute0_lowered;
	[smem:$0x3FD2] =	sst s26  }
0x1e: {  	s4 =	sshll.u32 s27, $0x1;
	_ =	strace $0x80000046;
	[dreg:$0x1] =	wrdreg $0xFFFFFFFF  }
0x1f: {  	s28 =	simm.s32 $_size_execute0_lowered;
	s1 =	sadd.s32 s1, s4;
	[dreg:$0x0] =	wrdreg $0x0  }
0x20: {  	s4 =	sshll.u32 s28, $0x1;
	[dreg:$0x2] =	wrdreg s1  }
0x21: {  	[dreg:$0x3] =	wrdreg s4  }
0x22: {  	[dreg:$0x4] =	wrdreg $0xC0  }
0x23: {  	_ =	task [dreg:s6], $0x5FFFF  }
0x24: {  	[dreg:$0x1] =	wrdreg $0xFFFFFFFF  }
0x25: {  	[dreg:$0x0] =	wrdreg $0x60  }
0x26: {  	[dreg:$0x2] =	wrdreg s25  }
0x27: {  	[dreg:$0x3] =	wrdreg $0x9  }
0x28: {  	_ =	task.clear_ibuf [dreg:s6], $0x4FFFF;
	_ =	strace $0x90000046  }
0x29: {  	s29 =	simm.s32 $0x9;
	_ =	strace $0x80000048  }
0x2a: {  	_ =	swait.ge [sflag:s29], $0x1  }
0x2b: {  	[sflag:s29] =	ssyncadd.s32 $0xFFFFFFFF  }
0x2c: {  	_ =	strace $0x90000048  }
0x2d: {  	_ =	sfence  }
0x2e: {  	s30 =	sld [smem:$0x0];
	_ =	sdelay $0x2  }
0x2f: {  	s31 =	sshll.u32 s3, $0xD;
	s3 =	sshrl.u32 s3, $0x2  }
0x30: {  	s2 =	sand.u32 $0x4000, s31;
	s1 =	sadd.s32 s3, s30  }
0x31: {  	s0 =	sor.u32 s2, s0;
	s1 =	sshll.u32 s1, $0x11  }
0x32: {  	s0 =	sor.u32 s1, s0  }
0x33: {  	s0 =	sadd.s32 $0x8F2B, s0  }
0x34: {  	[sflag:s0] =	ssyncadd.remote.s32 $0x1  }
0x35: {  	_ =	sfence.sel $0xFFFF  }
0x36: {  	[dreg:$0x0] =	wrdreg $0xFFFFFFFF;
	(pc) =	sbr.abs _section_cstart, $3  }
0x37: {  	[dreg:$0x1] =	wrdreg $0xFFFFFFFF  }
0x38: {  	_ =	task.clear_ibuf [dreg:s6], $0x2FFFF;
	_ =	strace $0x9FFFFFFF  }
0x39: {  	(tm) =	ssettm $0x7FFFFFFF  }
tec
execute0_lowered:
.L_overlay_start_1:
0x0: {  	(tag) =	ssettag $0x1  }
0x1: {  	s1 =	rddreg [dreg:$0x0]  }
0x2: {  	s0 =	rddreg [dreg:$0x1]  }
0x3: {  	_ =	strace $0x80000047;
	s4 =	srdreg.scid;
	s6 =	simm.s32 $0x2  }
0x4: {  	s11 =	simm.s32 $0x0;
	p0 =	por $0x0, $0x0;
	s7 =	simm.s32 $0x2000  }
.Ltmp0:
0x5: {  	s12 =	simm.s32 $0x0;
	s9 =	simm.s32 $0x0;
	(pc) =	sbr.rel .LBB1_1-.Ltmp0, $4  }
0x6: {  	s2 =	sadd.s32 $0x14E00, s1;
	s3 =	sadd.s32 $0x414E00, s1;
	s5 =	sshll.u32 s4, $0x4  }
0x7: {  	s1 =	stileid.u32;
	s4 =	simm.s32 $0x1;
	s5 =	sand.u32 $0x10, s5  }
0x8: {  	s8 =	simm.s32 $0x0;
	[sflag:s4] =	ssyncpa.u1 $0x0;
	s5 =	sor.u32 s1, s5  }
0x9: {  	[sflag:s6] =	ssyncpa.u1 $0x0;
	s6 =	simm.s32 $0x800;
	s10 =	smov.u32 s5  }
.LBB1_7:
0xa: {  	s13 =	sadd.s32 $0x10, s9  }
0xb: {  	s11 =	sadd.s32 $0x20, s10;
	s15 =	smov.u32 s10;
	p2 =	sgt.s32 s13, $0x3F  }
0xc: {  	p1 =	slt.u32 s8, $0x2;
	s15 =	smov.u32 @p2 s11  }
0xd: {  	s8 =	sadd.s32 $0x1, s8;
	s13 =	simm.s32 @p2 $0x0;
	p2 =	sgt.s32 s15, $0x1FF  }
0xe: {  	s15 =	smov.u32 @p2 s5;
	p2 =	sne.s32 s8, $0x42  }
.Ltmp1:
0xf: {  	_ = 	snop;
	(pc) =	sbr.rel @!p2 .LBB1_8-.Ltmp1, $4  }
0x10: {  	s14 =	simm.s32 @!p1 $0x2  }
0x11: {  	s12 =	smov.u32 s10;
	_ =	swait.ge @!p1 [sflag:s14], $0x4000  }
0x12: {  	p0 =	por !p0, !p0;
	s11 =	smov.u32 s9;
	[sflag:s14] =	ssyncset.done @!p1 $0x0  }
0x13: {  	s9 =	smov.u32 s13;
	[sflag:s14] =	ssyncadd.s32 @!p1 $0xFFFFC000;
	s10 =	smov.u32 s15  }
.LBB1_1:
0x14: {  	p1 =	sgt.u32 s8, $0x3F  }
0x15: {  	s13 =	sxor.u32 @!p1 $0xFFFFFFFF, s8;
	s14 =	sshll.u32 @!p1 s10, $0xD  }
0x16: {  	s15 =	sshll.u32 @!p1 s9, $0x7;
	s13 =	sshll.u32 @!p1 s13, $0xE;
	s14 =	sadd.s32 @!p1 s2, s14  }
0x17: {  	s13 =	sand.u32 @!p1 $0x4000, s13;
	s14 =	sadd.s32 @!p1 s15, s14;
	s15 =	simm.s32 @!p1 $0x0  }
0x18: {  	[tilespmem:s13], [sflag:$0x1] =	stream.linear.gather @!p1 [hbm4b:s14+s15], $0x4000, $0x38;
	[tilespmem:$0x10000] =	vst v63  }
0x19: {  	p1 =	seq.s32 s8, $0x0  }
0x1a: {  	p2 =	seq.s32 @!p1 s8, $0x41  }
0x1b: {  	p1 =	por p1, p2  }
.Ltmp2:
0x1c: {  	_ = 	snop;
	(pc) =	sbr.rel @p1 .LBB1_7-.Ltmp2, $1  }
0x1d: {  	_ =	sdelay $0x3  }
0x1e: {  	s13 =	simm.s32 $0x1;
	_ =	swait.ge [sflag:s4], $0x4000;
	s16 =	sshll.u32 s8, $0xE  }
0x1f: {  	s13 =	simm.s32 @!p0 $0x0;
	[sflag:s4] =	ssyncset.done $0x0;
	s31 =	sand.u32 $0x4000, s16  }
0x20: {  	s16 =	simm.s32 $0x0;
	s14 =	sshll.u32 s13, $0xE;
	[sflag:s4] =	ssyncadd.s32 $0xFFFFC000  }
0x21: {  	s13 =	sor.u32 $0x8040, s14;
	s15 =	sor.u32 $0x40, s14;
	s14 =	sor.u32 $0x8000, s31  }
.LBB1_3:
0x22: {  	v0 =	vmov s15;
	_ =	sdelay $0x3  }
0x23: {  	s18 =	simm.s32 $0x0  }
0x24: {  	v6 =	vld.idx.msk [tilespmem:v0+s18+$0x30 ss:$0x1], $0xffff  }
0x25: {  	v7 =	vld.idx.msk [tilespmem:v0+s18+$0xFFFFFFC0 ss:$0x1], $0xffff  }
0x26: {  	v5 =	vld.idx.msk [tilespmem:v0+s18+$0xFFFFFFD0 ss:$0x1], $0xffff  }
0x27: {  	v4 =	vld.idx.msk [tilespmem:v0+s18+$0xFFFFFFE0 ss:$0x1], $0xffff  }
0x28: {  	v3 =	vld.idx.msk [tilespmem:v0+s18+$0xFFFFFFF0 ss:$0x1], $0xffff  }
0x29: {  	v1 =	vld.idx.msk [tilespmem:v0+s18+$0x0 ss:$0x1], $0xffff  }
0x2a: {  	v2 =	vld.idx.msk [tilespmem:v0+s18+$0x10 ss:$0x1], $0xffff;
	[tilespmem:s13+$0x30] =	vst v6  }
0x2b: {  	s17 =	simm.s32 $0x80;
	s19 =	simm.s32 $0x400;
	[tilespmem:s13+$0xFFFFFFC0] =	vst v7;
	v6 =	vld.idx.msk [tilespmem:v0+s18+$0x20 ss:$0x1], $0xffff;
	s18 =	smov.u32 s13  }
.LBB1_4:
0x2c: {  	p1 =	sne.s32 s19, $0xE00;
	v7 =	vld.idx.msk [tilespmem:v0+s17+$0x30 ss:$0x1], $0xffff;
	[tilespmem:s18+$0xFFFFFFD0] =	vst v5  }
0x2d: {  	v8 =	vld.idx.msk [tilespmem:v0+s17+$0xFFFFFFC0 ss:$0x1], $0xffff;
	[tilespmem:s18+$0xFFFFFFE0] =	vst v4  }
0x2e: {  	v5 =	vld.idx.msk [tilespmem:v0+s17+$0xFFFFFFD0 ss:$0x1], $0xffff;
	[tilespmem:s18+$0xFFFFFFF0] =	vst v3  }
.Ltmp3:
0x2f: {  	v4 =	vld.idx.msk [tilespmem:v0+s17+$0xFFFFFFE0 ss:$0x1], $0xffff;
	[tilespmem:s18+$0x0] =	vst v1;
	(pc) =	sbr.rel @p1 .LBB1_4-.Ltmp3, $4  }
0x30: {  	v3 =	vld.idx.msk [tilespmem:v0+s17+$0xFFFFFFF0 ss:$0x1], $0xffff;
	[tilespmem:s18+$0x10] =	vst v2  }
0x31: {  	v1 =	vld.idx.msk [tilespmem:v0+s17+$0x0 ss:$0x1], $0xffff;
	[tilespmem:s18+$0x20] =	vst v6;
	s18 =	sadd.s32 $0x800, s18  }
0x32: {  	v2 =	vld.idx.msk [tilespmem:v0+s17+$0x10 ss:$0x1], $0xffff;
	[tilespmem:s18+$0x30] =	vst v7  }
0x33: {  	[tilespmem:s18+$0xFFFFFFC0] =	vst v8;
	v6 =	vld.idx.msk [tilespmem:v0+s17+$0x20 ss:$0x1], $0xffff;
	s17 =	sshra.s32 s19, $0x2;
	s19 =	sadd.s32 $0x200, s19  }
0x34: {  	_ =	sdelay $0x2  }
0x35: {  	[tilespmem:s18+$0xFFFFFFD0] =	vst v5  }
0x36: {  	v56 =	vld.idx.msk [tilespmem:v0+s17+$0x30 ss:$0x1], $0xffff;
	[tilespmem:s18+$0xFFFFFFE0] =	vst v4  }
0x37: {  	v57 =	vld.idx.msk [tilespmem:v0+s17+$0xFFFFFFC0 ss:$0x1], $0xffff;
	[tilespmem:s18+$0xFFFFFFF0] =	vst v3  }
0x38: {  	v58 =	vld.idx.msk [tilespmem:v0+s17+$0xFFFFFFD0 ss:$0x1], $0xffff;
	[tilespmem:s18+$0x0] =	vst v1  }
0x39: {  	v59 =	vld.idx.msk [tilespmem:v0+s17+$0xFFFFFFE0 ss:$0x1], $0xffff;
	[tilespmem:s18+$0x10] =	vst v2  }
0x3a: {  	v60 =	vld.idx.msk [tilespmem:v0+s17+$0xFFFFFFF0 ss:$0x1], $0xffff;
	s31 =	sadd.s32 $0x800, s18;
	[tilespmem:s18+$0x20] =	vst v6  }
0x3b: {  	v61 =	vld.idx.msk [tilespmem:v0+s17+$0x0 ss:$0x1], $0xffff;
	[tilespmem:s31+$0x30] =	vst v56  }
0x3c: {  	v62 =	vld.idx.msk [tilespmem:v0+s17+$0x10 ss:$0x1], $0xffff;
	s16 =	sadd.s32 $0x1, s16;
	[tilespmem:s31+$0xFFFFFFC0] =	vst v57  }
0x3d: {  	v63 =	vld.idx.msk [tilespmem:v0+s17+$0x20 ss:$0x1], $0xffff;
	p1 =	sne.s32 s16, $0x10;
	[tilespmem:s31+$0xFFFFFFD0] =	vst v58  }
.Ltmp4:
0x3e: {  	[tilespmem:s31+$0xFFFFFFE0] =	vst v59;
	(pc) =	sbr.rel @p1 .LBB1_3-.Ltmp4, $4  }
0x3f: {  	[tilespmem:s31+$0xFFFFFFF0] =	vst v60  }
0x40: {  	[tilespmem:s31+$0x0] =	vst v61  }
0x41: {  	[tilespmem:s31+$0x10] =	vst v62  }
0x42: {  	s13 =	sadd.s32 $0x80, s13;
	s15 =	sadd.s32 $0x400, s15;
	[tilespmem:s31+$0x20] =	vst v63  }
.Ltmp5:
0x43: {  	(pc) =	sbr.rel .LBB1_7-.Ltmp5, $4  }
0x44: {  	s12 =	sshll.u32 s12, $0xD;
	s11 =	sshll.u32 s11, $0x4  }
0x45: {  	s11 =	sand.u32 $0x3F0, s11;
	s12 =	sadd.s32 s3, s12  }
0x46: {  	s11 =	sadd.s32 s11, s12  }
0x47: {  	[hbm4b:s11+s6] =	stream.strided.scatter [tilespmem:s14], [sflag:$0x2], $0x4000, s7, s6, $0x38;
	[tilespmem:$0x10000] =	vst v63  }
.LBB1_8:
0x48: {  	_ =	sfence.sel $0x180000  }
0x49: {  	s2 =	simm.s32 $0x1;
	[bflag:$0x0] =	sbarrier.arrive $0xFFFF  }
0x4a: {  	s31 =	simm.s32 $0x2;
	[sflag:s2] =	ssyncpa.u1 $0x1  }
0x4b: {  	[sflag:s31] =	ssyncpa.u1 $0x1  }
0x4c: {  	p0 =	sne.s32 s1, $0x0;
	_ =	strace $0x90000047  }
0x4d: {  	s0 =	sadd.s32 @!p0 $0x100000, s0;
	[bflag:$0x2] =	sbarrier.arrive $0xFFFF  }
0x4e: {  	[sflag:s0] =	ssyncadd.tile.s32 @!p0 $0x1;
	_ =	shalt  }
.Lfunc_end1:
_tile_overlayer_lowered:
.L_overlay_start_2:
0x4f: {  	(tag) =	ssettag $0x2  }
0x50: {  	s0 =	rddreg [dreg:$0x0];
	s2 =	stileid.u32  }
0x51: {  	s1 =	rddreg [dreg:$0x1];
	p0 =	sne.s32 s2, $0x0  }
0x52: {  	s3 =	rddreg [dreg:$0x2];
	[bflag:$0x3] =	sbarrier.arrive $0xFFFF;
	s2 =	simm.s32 @!p0 $0x1C01  }
0x53: {  	[timem:s3], [sflag:s2] =	dma.local @!p0 [hbm:s0], s1  }
0x54: {  	s0 =	simm.s32 @!p0 $0x1  }
0x55: {  	_ =	swait.ge @!p0 [sflag:s0], s1  }
0x56: {  	s1 =	ssub.s32 @!p0 $0x0, s1;
	[sflag:s0] =	ssyncset.done @!p0 $0x0  }
0x57: {  	[sflag:s0] =	ssyncadd.s32 @!p0 s1  }
0x58: {  	[bflag:$0x3] =	sbarrier.arrive $0xFFFF  }
0x59: {  	_ =	shalt  }

</sc_bundles>
